<compile_context>
chip_gen: v7x
topology: tpu7x:2x2x1
jax: 0.10.2.dev20260603
libtpu: 0.0.44.dev20260713+nightly
codegen_flags: <defaults>
</compile_context>

<pallas_src>
import functools

import jax
import jax.numpy as jnp
from jax import lax
from jax.experimental import pallas as pl
from jax.experimental.pallas import tpu as pltpu
from jax.experimental.pallas import tpu_sc as plsc

N_NODES = 10000
D = 128
NPAD = 10240
ROWS_PER_TILE = NPAD // 16
ZROWS = 64
NDEN = 10016
CHUNK = 64
GRP = 8
NTILES = 32


def _prologue_body(x_ref, w_ref, asv_ref, adv_ref,
                   h_ref, as_ref, ad_ref, cs_ref, cd_ref):
    h = jnp.dot(x_ref[...], w_ref[...], preferred_element_type=jnp.float32)
    h_ref[...] = h
    asb = jnp.dot(h, asv_ref[...], preferred_element_type=jnp.float32)
    adb = jnp.dot(h, adv_ref[...], preferred_element_type=jnp.float32)
    as_ref[...] = asb
    ad_ref[...] = adb
    ms = jnp.max(asb).reshape(1, 1)
    md = jnp.max(adb).reshape(1, 1)
    i = pl.program_id(0)

    @pl.when(i == 0)
    def _():
        cs_ref[...] = ms
        cd_ref[...] = md

    @pl.when(i > 0)
    def _():
        cs_ref[...] = jnp.maximum(cs_ref[...], ms)
        cd_ref[...] = jnp.maximum(cd_ref[...], md)


def _make_sc_kernel(nchunks):
    mesh = plsc.VectorSubcoreMesh(core_axis_name="c", subcore_axis_name="s")

    @functools.partial(
        pl.kernel,
        out_type=(
            jax.ShapeDtypeStruct((2 * NPAD, D), jnp.float32),
            jax.ShapeDtypeStruct((NTILES, NDEN), jnp.float32),
        ),
        mesh=mesh,
        compiler_params=pltpu.CompilerParams(needs_layout_passes=False),
        scratch_types=[
            pltpu.VMEM((NDEN,), jnp.float32),
            pltpu.VMEM((NDEN,), jnp.float32),
            pltpu.VMEM((NDEN,), jnp.float32),
            pltpu.VMEM((2, CHUNK), jnp.int32),
            pltpu.VMEM((CHUNK,), jnp.int32),
            pltpu.VMEM((CHUNK,), jnp.int32),
            pltpu.VMEM((CHUNK,), jnp.int32),
            pltpu.VMEM((CHUNK,), jnp.int32),
            pltpu.VMEM((CHUNK,), jnp.float32),
            pltpu.VMEM((CHUNK, D), jnp.float32),
            pltpu.VMEM((CHUNK, D), jnp.float32),
            pltpu.VMEM((16,), jnp.float32),
            pltpu.VMEM_SHARED((NPAD, D), jnp.float32),
            pltpu.SemaphoreType.DMA,
            pltpu.SemaphoreType.DMA,
        ],
    )
    def sc_kernel(h_hbm, eidx_hbm, asrc_hbm, adst_hbm, c_hbm,
                  acc_hbm, den_hbm,
                  asrc_v, adst_v, den_v, pk, srcb0, srcb1, dstb0, dstb1,
                  exbuf, rows0, rows1, cvec, spmem_acc, gsem0, gsem1):
        c = lax.axis_index("c")
        s = lax.axis_index("s")
        wid = s * 2 + c

        pltpu.sync_copy(asrc_hbm, asrc_v)
        pltpu.sync_copy(adst_hbm, adst_v)
        pltpu.sync_copy(c_hbm, cvec)
        cval = cvec[...]

        zero16 = jnp.zeros((16,), jnp.float32)

        def _zero_rows(r, carry):
            for j in range(D // 16):
                rows0[r, pl.ds(j * 16, 16)] = zero16
            return carry
        lax.fori_loop(0, CHUNK, _zero_rows, 0)

        def _zero_den(i, carry):
            den_v[pl.ds(i * 16, 16)] = zero16
            return carry
        lax.fori_loop(0, NDEN // 16, _zero_den, 0)

        base = s * ROWS_PER_TILE
        def _zero_acc(k, carry):
            pltpu.sync_copy(rows0, spmem_acc.at[pl.ds(base + k * CHUNK, CHUNK)])
            return carry
        lax.fori_loop(0, ROWS_PER_TILE // CHUNK, _zero_acc, 0)

        plsc.subcore_barrier()

        rows = (rows0, rows1)
        gsems = (gsem0, gsem1)
        srcbs = (srcb0, srcb1)
        dstbs = (dstb0, dstb1)

        def _compute_ex(p):
            def _exgroup(g, carry2):
                si = srcbs[p][pl.ds(g * 16, 16)]
                di = dstbs[p][pl.ds(g * 16, 16)]
                e = (plsc.load_gather(asrc_v, [si])
                     + plsc.load_gather(adst_v, [di]))
                e = jnp.where(e > 0, e, 0.2 * e)
                ex = jnp.exp(e - cval)
                exbuf[pl.ds(g * 16, 16)] = ex
                plsc.addupdate_scatter(den_v, [di], ex)
                return carry2
            lax.fori_loop(0, CHUNK // 16, _exgroup, 0)

        def _scale_rows(p):
            rv = rows[p]
            def _scale(r, carry2):
                a = plsc.load_gather(exbuf, [jnp.full((16,), r, jnp.int32)])
                for jj in range(D // 16):
                    rv[r, pl.ds(jj * 16, 16)] = rv[r, pl.ds(jj * 16, 16)] * a
                return carry2
            lax.fori_loop(0, CHUNK, _scale, 0)

        def _stage_and_gather(tnext, p):
            pltpu.sync_copy(eidx_hbm.at[wid, tnext], pk.at[p])
            sb, db = srcbs[p], dstbs[p]
            def _unpack(g, carry2):
                w = pk[p, pl.ds(g * 16, 16)]
                sb[pl.ds(g * 16, 16)] = lax.shift_right_logical(w, 14)
                db[pl.ds(g * 16, 16)] = lax.bitwise_and(
                    w, jnp.full((16,), 16383, jnp.int32))
                return carry2
            lax.fori_loop(0, CHUNK // 16, _unpack, 0)
            pltpu.async_copy(h_hbm.at[sb], rows[p], gsems[p])

        def _wait_gather(p):
            pltpu.make_async_copy(
                h_hbm.at[srcbs[p]], rows[p], gsems[p]).wait()

        def _do_chunk(t, p):
            _compute_ex(p)
            _wait_gather(p)
            _scale_rows(p)
            pltpu.sync_copy(rows[p], spmem_acc.at[dstbs[p]], add=True)

        npairs = nchunks // 2
        _stage_and_gather(0, 0)

        def _pair(i, carry):
            t0 = 2 * i
            _stage_and_gather(t0 + 1, 1)
            _do_chunk(t0, 0)

            @pl.when(i < npairs - 1)
            def _():
                _stage_and_gather(t0 + 2, 0)
            _do_chunk(t0 + 1, 1)
            return carry
        lax.fori_loop(0, npairs, _pair, 0)

        plsc.subcore_barrier()

        pltpu.sync_copy(spmem_acc.at[pl.ds(base, ROWS_PER_TILE)],
                        acc_hbm.at[pl.ds(c * NPAD + base, ROWS_PER_TILE)])
        pltpu.sync_copy(den_v, den_hbm.at[wid])

    return sc_kernel


def _epilogue_body(acc0_ref, acc1_ref, den_ref, bias_ref, out_ref):
    a = acc0_ref[...] + acc1_ref[...]
    dsum = jnp.sum(den_ref[...], axis=0)
    y = a / (dsum[:, None] + 1e-16) + bias_ref[...]
    out_ref[...] = jnp.where(y > 0, y, jnp.exp(jnp.minimum(y, 0.0)) - 1.0)


def kernel(x, edge_index_l1, W, att_src, att_dst, bias):
    n = x.shape[0]
    e = edge_index_l1.shape[1]
    ntotal = e + n
    ept = -(-ntotal // (NTILES * 2 * CHUNK)) * (2 * CHUNK)
    epad = ept * NTILES
    nchunks = ept // CHUNK

    self_loops = jnp.arange(n, dtype=edge_index_l1.dtype)
    src = jnp.concatenate([edge_index_l1[0], self_loops])
    dst = jnp.concatenate([edge_index_l1[1], self_loops])
    pad_n = epad - ntotal
    src = jnp.pad(src, (0, pad_n), constant_values=n)
    dst = jnp.pad(dst, (0, pad_n), constant_values=n)
    packed = src * jnp.int32(16384) + dst
    eidx3 = packed.reshape(NTILES, nchunks, CHUNK)
    x_pad = jnp.pad(x, ((0, NPAD - n), (0, 0)))

    BLK = 1024
    grid = NPAD // BLK
    h, a_src2, a_dst2, cs, cd = pl.pallas_call(
        _prologue_body,
        grid=(grid,),
        in_specs=[
            pl.BlockSpec((BLK, D), lambda i: (i, 0)),
            pl.BlockSpec((D, D), lambda i: (0, 0)),
            pl.BlockSpec((D, 1), lambda i: (0, 0)),
            pl.BlockSpec((D, 1), lambda i: (0, 0)),
        ],
        out_specs=[
            pl.BlockSpec((BLK, D), lambda i: (i, 0)),
            pl.BlockSpec((BLK, 1), lambda i: (i, 0)),
            pl.BlockSpec((BLK, 1), lambda i: (i, 0)),
            pl.BlockSpec((1, 1), lambda i: (0, 0)),
            pl.BlockSpec((1, 1), lambda i: (0, 0)),
        ],
        out_shape=[
            jax.ShapeDtypeStruct((NPAD, D), jnp.float32),
            jax.ShapeDtypeStruct((NPAD, 1), jnp.float32),
            jax.ShapeDtypeStruct((NPAD, 1), jnp.float32),
            jax.ShapeDtypeStruct((1, 1), jnp.float32),
            jax.ShapeDtypeStruct((1, 1), jnp.float32),
        ],
    )(x_pad, W, att_src.reshape(D, 1), att_dst.reshape(D, 1))

    csum = cs[0, 0] + cd[0, 0]
    cmax = jnp.where(csum > 0, csum, 0.2 * csum)
    cvec = jnp.full((16,), cmax, jnp.float32)

    acc, den = _make_sc_kernel(nchunks)(
        h, eidx3, a_src2.reshape(NPAD)[:NDEN],
        a_dst2.reshape(NPAD)[:NDEN], cvec)
    den = jnp.pad(den, ((0, 0), (0, NPAD - NDEN)))

    out = pl.pallas_call(
        _epilogue_body,
        grid=(grid,),
        in_specs=[
            pl.BlockSpec((BLK, D), lambda i: (i, 0)),
            pl.BlockSpec((BLK, D), lambda i: (i + NPAD // BLK, 0)),
            pl.BlockSpec((NTILES, BLK), lambda i: (0, i)),
            pl.BlockSpec((1, D), lambda i: (0, 0)),
        ],
        out_specs=pl.BlockSpec((BLK, D), lambda i: (i, 0)),
        out_shape=jax.ShapeDtypeStruct((NPAD, D), jnp.float32),
    )(acc, acc, den, bias.reshape(1, D))

    return out[:n]

# --- scband reference (transcript-rebuilt; emitter-appended) ---
"""Pipeline reference for scband-pl1-inverse-approx-66159676228022 (READ-ONLY COPY).

The authoritative reference and input builder live on the scoring server;
editing this copy changes nothing except your own understanding.
"""

import jax, jax.numpy as jnp
import numpy as np

N = 10000
E = 320000
D_IN = 128
D_OUT = 128


def setup_inputs(seed: int = 0) -> dict:
    key = jax.random.key(seed)
    k1, k2, k3, k4, k5, k6 = jax.random.split(key, 6)
    x = jax.random.normal(k1, (N, D_IN), dtype=jnp.float32)
    edge_index_l1 = jax.random.randint(k2, (2, E), 0, N, dtype=jnp.int32)
    # GATConv(in_dim, out_dim, heads=1, concat=False) parameters
    W = jax.random.normal(k3, (D_IN, D_OUT), dtype=jnp.float32) * (1.0 / np.sqrt(D_IN))
    att_src = jax.random.normal(k4, (D_OUT,), dtype=jnp.float32) * (1.0 / np.sqrt(D_OUT))
    att_dst = jax.random.normal(k5, (D_OUT,), dtype=jnp.float32) * (1.0 / np.sqrt(D_OUT))
    bias = jnp.zeros((D_OUT,), dtype=jnp.float32)
    return {"x": x, "edge_index_l1": edge_index_l1, "W": W, "att_src": att_src, "att_dst": att_dst, "bias": bias}


def reference(x, edge_index_l1, W, att_src, att_dst, bias):
    n = x.shape[0]
    # PyG GATConv default: add self loops
    self_loops = jnp.arange(n, dtype=edge_index_l1.dtype)
    src = jnp.concatenate([edge_index_l1[0], self_loops])
    dst = jnp.concatenate([edge_index_l1[1], self_loops])
    # linear transform
    h = x @ W
    # attention logits: alpha_src[j] + alpha_dst[i] per edge (j -> i)
    a_src = h @ att_src
    a_dst = h @ att_dst
    e = a_src[src] + a_dst[dst]
    # leaky_relu, negative_slope=0.2
    e = jnp.where(e > 0, e, 0.2 * e)
    # softmax over incoming edges per dst node (numerically stable)
    emax = jax.ops.segment_max(e, dst, num_segments=n)
    emax = jnp.where(jnp.isfinite(emax), emax, 0.0)
    ex = jnp.exp(e - emax[dst])
    denom = jax.ops.segment_sum(ex, dst, num_segments=n)
    alpha = ex / (denom[dst] + 1e-16)
    # weighted aggregation (scatter-add by dst)
    out = jax.ops.segment_sum(alpha[:, None] * h[src], dst, num_segments=n) + bias
    # F.elu
    return jax.nn.elu(out)

if __name__ == "__main__":
    import jax
    _d = setup_inputs()
    print(jax.jit(kernel)(*tuple(_d.values())))

</pallas_src>

<mosaic_0001>
#map = affine_map<(d0, d1) -> (0, 0)>
#map1 = affine_map<(d0, d1) -> (0, 0, 0)>
#map2 = affine_map<(d0, d1) -> (0)>
module attributes {stable_mosaic.version = 14 : i64} {
  func.func @sc_kernel(%arg0: i32, %arg1: i32, %arg2: memref<10240x128xf32, #tpu.memory_space<hbm>>, %arg3: memref<32x162x64xi32, #tpu.memory_space<hbm>>, %arg4: memref<10016xf32, #tpu.memory_space<hbm>>, %arg5: memref<10016xf32, #tpu.memory_space<hbm>>, %arg6: memref<16xf32, #tpu.memory_space<hbm>>, %arg7: memref<20480x128xf32, #tpu.memory_space<hbm>>, %arg8: memref<32x10016xf32, #tpu.memory_space<hbm>>, %arg9: memref<10016xf32, #tpu.memory_space<vmem>>, %arg10: memref<10016xf32, #tpu.memory_space<vmem>>, %arg11: memref<10016xf32, #tpu.memory_space<vmem>>, %arg12: memref<2x64xi32, #tpu.memory_space<vmem>>, %arg13: memref<64xi32, #tpu.memory_space<vmem>>, %arg14: memref<64xi32, #tpu.memory_space<vmem>>, %arg15: memref<64xi32, #tpu.memory_space<vmem>>, %arg16: memref<64xi32, #tpu.memory_space<vmem>>, %arg17: memref<64xf32, #tpu.memory_space<vmem>>, %arg18: memref<64x128xf32, #tpu.memory_space<vmem>>, %arg19: memref<64x128xf32, #tpu.memory_space<vmem>>, %arg20: memref<16xf32, #tpu.memory_space<vmem>>, %arg21: memref<10240x128xf32, #tpu.memory_space<vmem_shared>>, %arg22: memref<!tpu.dma_semaphore, #tpu.memory_space<semaphore_mem>>, %arg23: memref<!tpu.dma_semaphore, #tpu.memory_space<semaphore_mem>>) attributes {dimension_semantics = [#tpu.dimension_semantics<core_parallel>, #tpu.dimension_semantics<subcore_parallel>], iteration_bounds = array<i64: 2, 16>, scalar_prefetch = 0 : i64, scratch_operands = 15 : i64, tpu.core_type = #tpu.core_type<sc_vector_subcore>, window_params = [{transform_indices = #map}, {transform_indices = #map1}, {transform_indices = #map2}, {transform_indices = #map2}, {transform_indices = #map2}, {transform_indices = #map}, {transform_indices = #map}]} {
    %mul3A = arith.constant 2 : i32
    %mul3A_0 = arith.muli %arg1, %mul3A : i32
    %add3A = arith.addi %mul3A_0, %arg0 : i32
    "tpu.region"() ({
      %run_scoped3A_41 = tpu.sem_alloc : memref<!tpu.dma_semaphore, #tpu.memory_space<semaphore_mem>>
      tpu.enqueue_dma source(%arg4 : memref<10016xf32, #tpu.memory_space<hbm>>) target(%arg9 : memref<10016xf32, #tpu.memory_space<vmem>>) target_semaphore(%run_scoped3A_41 : memref<!tpu.dma_semaphore, #tpu.memory_space<semaphore_mem>>)
      tpu.wait_dma2 semaphore(%run_scoped3A_41 : memref<!tpu.dma_semaphore, #tpu.memory_space<semaphore_mem>>) src(%arg4 : memref<10016xf32, #tpu.memory_space<hbm>>) dst(%arg9 : memref<10016xf32, #tpu.memory_space<vmem>>)
      tpu.yield
    }) : () -> ()
    "tpu.region"() ({
      %run_scoped3A_41 = tpu.sem_alloc : memref<!tpu.dma_semaphore, #tpu.memory_space<semaphore_mem>>
      tpu.enqueue_dma source(%arg5 : memref<10016xf32, #tpu.memory_space<hbm>>) target(%arg10 : memref<10016xf32, #tpu.memory_space<vmem>>) target_semaphore(%run_scoped3A_41 : memref<!tpu.dma_semaphore, #tpu.memory_space<semaphore_mem>>)
      tpu.wait_dma2 semaphore(%run_scoped3A_41 : memref<!tpu.dma_semaphore, #tpu.memory_space<semaphore_mem>>) src(%arg5 : memref<10016xf32, #tpu.memory_space<hbm>>) dst(%arg10 : memref<10016xf32, #tpu.memory_space<vmem>>)
      tpu.yield
    }) : () -> ()
    "tpu.region"() ({
      %run_scoped3A_41 = tpu.sem_alloc : memref<!tpu.dma_semaphore, #tpu.memory_space<semaphore_mem>>
      tpu.enqueue_dma source(%arg6 : memref<16xf32, #tpu.memory_space<hbm>>) target(%arg20 : memref<16xf32, #tpu.memory_space<vmem>>) target_semaphore(%run_scoped3A_41 : memref<!tpu.dma_semaphore, #tpu.memory_space<semaphore_mem>>)
      tpu.wait_dma2 semaphore(%run_scoped3A_41 : memref<!tpu.dma_semaphore, #tpu.memory_space<semaphore_mem>>) src(%arg6 : memref<16xf32, #tpu.memory_space<hbm>>) dst(%arg20 : memref<16xf32, #tpu.memory_space<vmem>>)
      tpu.yield
    }) : () -> ()
    %get3A = arith.constant 0 : index
    %get3A_1 = tpu.vector_load %arg20[%get3A] {strides = array<i32>} : memref<16xf32, #tpu.memory_space<vmem>>, vector<16xf32>,
    %broadcast_in_dim3A = arith.constant 0.000000e+00 : f32
    %broadcast_in_dim3A_2 = vector.broadcast %broadcast_in_dim3A : f32 to vector<16xf32>
    %scan3A = arith.constant 0 : i32
    %scan3A_3 = arith.constant 0 : i32
    %scan3A_4 = arith.constant 64 : i32
    %scan3A_5 = arith.addi %scan3A_3, %scan3A_4 : i32
    %scan3A_6 = arith.constant 1 : i32
    scf.for %scan3A_41 = %scan3A_3 to %scan3A_5 step %scan3A_6  : i32 {
      %swap3A = arith.index_cast %scan3A_41 : i32 to index
      %swap3A_42 = arith.constant 0 : index
      %swap3A_43 = tpu.vector_load %arg18[%swap3A, %swap3A_42] {strides = array<i32>} : memref<64x128xf32, #tpu.memory_space<vmem>>, vector<16xf32>,
      tpu.vector_store %arg18[%swap3A, %swap3A_42], %broadcast_in_dim3A_2 {strides = array<i32>} : memref<64x128xf32, #tpu.memory_space<vmem>>, vector<16xf32>,
      %swap3A_44 = arith.index_cast %scan3A_41 : i32 to index
      %swap3A_45 = arith.constant 16 : index
      %swap3A_46 = tpu.vector_load %arg18[%swap3A_44, %swap3A_45] {strides = array<i32>} : memref<64x128xf32, #tpu.memory_space<vmem>>, vector<16xf32>,
      tpu.vector_store %arg18[%swap3A_44, %swap3A_45], %broadcast_in_dim3A_2 {strides = array<i32>} : memref<64x128xf32, #tpu.memory_space<vmem>>, vector<16xf32>,
      %swap3A_47 = arith.index_cast %scan3A_41 : i32 to index
      %swap3A_48 = arith.constant 32 : index
      %swap3A_49 = tpu.vector_load %arg18[%swap3A_47, %swap3A_48] {strides = array<i32>} : memref<64x128xf32, #tpu.memory_space<vmem>>, vector<16xf32>,
      tpu.vector_store %arg18[%swap3A_47, %swap3A_48], %broadcast_in_dim3A_2 {strides = array<i32>} : memref<64x128xf32, #tpu.memory_space<vmem>>, vector<16xf32>,
      %swap3A_50 = arith.index_cast %scan3A_41 : i32 to index
      %swap3A_51 = arith.constant 48 : index
      %swap3A_52 = tpu.vector_load %arg18[%swap3A_50, %swap3A_51] {strides = array<i32>} : memref<64x128xf32, #tpu.memory_space<vmem>>, vector<16xf32>,
      tpu.vector_store %arg18[%swap3A_50, %swap3A_51], %broadcast_in_dim3A_2 {strides = array<i32>} : memref<64x128xf32, #tpu.memory_space<vmem>>, vector<16xf32>,
      %swap3A_53 = arith.index_cast %scan3A_41 : i32 to index
      %swap3A_54 = arith.constant 64 : index
      %swap3A_55 = tpu.vector_load %arg18[%swap3A_53, %swap3A_54] {strides = array<i32>} : memref<64x128xf32, #tpu.memory_space<vmem>>, vector<16xf32>,
      tpu.vector_store %arg18[%swap3A_53, %swap3A_54], %broadcast_in_dim3A_2 {strides = array<i32>} : memref<64x128xf32, #tpu.memory_space<vmem>>, vector<16xf32>,
      %swap3A_56 = arith.index_cast %scan3A_41 : i32 to index
      %swap3A_57 = arith.constant 80 : index
      %swap3A_58 = tpu.vector_load %arg18[%swap3A_56, %swap3A_57] {strides = array<i32>} : memref<64x128xf32, #tpu.memory_space<vmem>>, vector<16xf32>,
      tpu.vector_store %arg18[%swap3A_56, %swap3A_57], %broadcast_in_dim3A_2 {strides = array<i32>} : memref<64x128xf32, #tpu.memory_space<vmem>>, vector<16xf32>,
      %swap3A_59 = arith.index_cast %scan3A_41 : i32 to index
      %swap3A_60 = arith.constant 96 : index
      %swap3A_61 = tpu.vector_load %arg18[%swap3A_59, %swap3A_60] {strides = array<i32>} : memref<64x128xf32, #tpu.memory_space<vmem>>, vector<16xf32>,
      tpu.vector_store %arg18[%swap3A_59, %swap3A_60], %broadcast_in_dim3A_2 {strides = array<i32>} : memref<64x128xf32, #tpu.memory_space<vmem>>, vector<16xf32>,
      %swap3A_62 = arith.index_cast %scan3A_41 : i32 to index
      %swap3A_63 = arith.constant 112 : index
      %swap3A_64 = tpu.vector_load %arg18[%swap3A_62, %swap3A_63] {strides = array<i32>} : memref<64x128xf32, #tpu.memory_space<vmem>>, vector<16xf32>,
      tpu.vector_store %arg18[%swap3A_62, %swap3A_63], %broadcast_in_dim3A_2 {strides = array<i32>} : memref<64x128xf32, #tpu.memory_space<vmem>>, vector<16xf32>,
    }
    %scan3A_7 = arith.constant 64 : i32
    %scan3A_8 = arith.constant 0 : i32
    %scan3A_9 = arith.constant 0 : i32
    %scan3A_10 = arith.constant 626 : i32
    %scan3A_11 = arith.addi %scan3A_9, %scan3A_10 : i32
    %scan3A_12 = arith.constant 1 : i32
    scf.for %scan3A_41 = %scan3A_9 to %scan3A_11 step %scan3A_12  : i32 {
      %mul3A_42 = arith.constant 16 : i32
      %mul3A_43 = arith.muli %scan3A_41, %mul3A_42 : i32
      %swap3A = arith.index_cast %mul3A_43 : i32 to index
      %swap3A_44 = tpu.vector_load %arg11[%swap3A] {strides = array<i32>} : memref<10016xf32, #tpu.memory_space<vmem>>, vector<16xf32>,
      tpu.vector_store %arg11[%swap3A], %broadcast_in_dim3A_2 {strides = array<i32>} : memref<10016xf32, #tpu.memory_space<vmem>>, vector<16xf32>,
    }
    %scan3A_13 = arith.constant 626 : i32
    %mul3A_14 = arith.constant 640 : i32
    %mul3A_15 = arith.muli %arg1, %mul3A_14 : i32
    %scan3A_16 = arith.constant 0 : i32
    %scan3A_17 = arith.constant 0 : i32
    %scan3A_18 = arith.constant 10 : i32
    %scan3A_19 = arith.addi %scan3A_17, %scan3A_18 : i32
    %scan3A_20 = arith.constant 1 : i32
    scf.for %scan3A_41 = %scan3A_17 to %scan3A_19 step %scan3A_20  : i32 {
      %mul3A_42 = arith.constant 64 : i32
      %mul3A_43 = arith.muli %scan3A_41, %mul3A_42 : i32
      %add3A_44 = arith.addi %mul3A_15, %mul3A_43 : i32
      "tpu.region"() ({
        %run_scoped3A_45 = tpu.sem_alloc : memref<!tpu.dma_semaphore, #tpu.memory_space<semaphore_mem>>
        %dma_start3A_46 = arith.constant 0 : i32
        %dma_start3A_47 = tpu.memref_slice %arg21[%add3A_44, %dma_start3A_46] : memref<10240x128xf32, #tpu.memory_space<vmem_shared>> -> memref<64x128xf32, #tpu.memory_space<vmem_shared>>
        %dma_start3A_48 = arith.constant 0 : i32
        %dma_start3A_49 = tpu.memref_slice %arg21[%add3A_44, %dma_start3A_48] : memref<10240x128xf32, #tpu.memory_space<vmem_shared>> -> memref<64x128xf32, #tpu.memory_space<vmem_shared>>
        tpu.enqueue_dma source(%arg18 : memref<64x128xf32, #tpu.memory_space<vmem>>) target(%dma_start3A_49 : memref<64x128xf32, #tpu.memory_space<vmem_shared>>) target_semaphore(%run_scoped3A_45 : memref<!tpu.dma_semaphore, #tpu.memory_space<semaphore_mem>>)
        %dma_wait3A = arith.constant 0 : i32
        %dma_wait3A_50 = tpu.memref_slice %arg21[%add3A_44, %dma_wait3A] : memref<10240x128xf32, #tpu.memory_space<vmem_shared>> -> memref<64x128xf32, #tpu.memory_space<vmem_shared>>
        %dma_wait3A_51 = arith.constant 0 : i32
        %dma_wait3A_52 = tpu.memref_slice %arg21[%add3A_44, %dma_wait3A_51] : memref<10240x128xf32, #tpu.memory_space<vmem_shared>> -> memref<64x128xf32, #tpu.memory_space<vmem_shared>>
        tpu.wait_dma2 semaphore(%run_scoped3A_45 : memref<!tpu.dma_semaphore, #tpu.memory_space<semaphore_mem>>) src(%arg18 : memref<64x128xf32, #tpu.memory_space<vmem>>) dst(%dma_wait3A_52 : memref<64x128xf32, #tpu.memory_space<vmem_shared>>)
        tpu.yield
      }) : () -> ()
    }
    %scan3A_21 = arith.constant 10 : i32
    %barrier3A = arith.constant 0 : index
    tpu.barrier barrier_id(%barrier3A)
    %run_scoped3A = arith.constant 0 : i32
    %run_scoped3A_22 = arith.constant 0 : i32
    "tpu.region"() ({
      %run_scoped3A_41 = tpu.sem_alloc : memref<!tpu.dma_semaphore, #tpu.memory_space<semaphore_mem>>
      %dma_start3A_42 = arith.constant 0 : i32
      %dma_start3A_43 = tpu.memref_slice %arg12[%run_scoped3A_22, %dma_start3A_42] : memref<2x64xi32, #tpu.memory_space<vmem>> -> memref<1x64xi32, #tpu.memory_space<vmem>>
      %dma_start3A_44 = tpu.memref_squeeze %dma_start3A_43 : memref<1x64xi32, #tpu.memory_space<vmem>> -> memref<64xi32, #tpu.memory_space<vmem>>
      %dma_start3A_45 = arith.constant 0 : i32
      %dma_start3A_46 = tpu.memref_slice %arg3[%add3A, %run_scoped3A, %dma_start3A_45] : memref<32x162x64xi32, #tpu.memory_space<hbm>> -> memref<1x1x64xi32, #tpu.memory_space<hbm>>
      %dma_start3A_47 = tpu.memref_squeeze %dma_start3A_46 : memref<1x1x64xi32, #tpu.memory_space<hbm>> -> memref<64xi32, #tpu.memory_space<hbm>>
      %dma_start3A_48 = arith.constant 0 : i32
      %dma_start3A_49 = tpu.memref_slice %arg12[%run_scoped3A_22, %dma_start3A_48] : memref<2x64xi32, #tpu.memory_space<vmem>> -> memref<1x64xi32, #tpu.memory_space<vmem>>
      %dma_start3A_50 = tpu.memref_squeeze %dma_start3A_49 : memref<1x64xi32, #tpu.memory_space<vmem>> -> memref<64xi32, #tpu.memory_space<vmem>>
      %dma_start3A_51 = arith.constant 0 : i32
      %dma_start3A_52 = tpu.memref_slice %arg3[%add3A, %run_scoped3A, %dma_start3A_51] : memref<32x162x64xi32, #tpu.memory_space<hbm>> -> memref<1x1x64xi32, #tpu.memory_space<hbm>>
      %dma_start3A_53 = tpu.memref_squeeze %dma_start3A_52 : memref<1x1x64xi32, #tpu.memory_space<hbm>> -> memref<64xi32, #tpu.memory_space<hbm>>
      tpu.enqueue_dma source(%dma_start3A_53 : memref<64xi32, #tpu.memory_space<hbm>>) target(%dma_start3A_50 : memref<64xi32, #tpu.memory_space<vmem>>) target_semaphore(%run_scoped3A_41 : memref<!tpu.dma_semaphore, #tpu.memory_space<semaphore_mem>>)
      %dma_wait3A = arith.constant 0 : i32
      %dma_wait3A_54 = tpu.memref_slice %arg12[%run_scoped3A_22, %dma_wait3A] : memref<2x64xi32, #tpu.memory_space<vmem>> -> memref<1x64xi32, #tpu.memory_space<vmem>>
      %dma_wait3A_55 = tpu.memref_squeeze %dma_wait3A_54 : memref<1x64xi32, #tpu.memory_space<vmem>> -> memref<64xi32, #tpu.memory_space<vmem>>
      %dma_wait3A_56 = arith.constant 0 : i32
      %dma_wait3A_57 = tpu.memref_slice %arg3[%add3A, %run_scoped3A, %dma_wait3A_56] : memref<32x162x64xi32, #tpu.memory_space<hbm>> -> memref<1x1x64xi32, #tpu.memory_space<hbm>>
      %dma_wait3A_58 = tpu.memref_squeeze %dma_wait3A_57 : memref<1x1x64xi32, #tpu.memory_space<hbm>> -> memref<64xi32, #tpu.memory_space<hbm>>
      %dma_wait3A_59 = arith.constant 0 : i32
      %dma_wait3A_60 = tpu.memref_slice %arg12[%run_scoped3A_22, %dma_wait3A_59] : memref<2x64xi32, #tpu.memory_space<vmem>> -> memref<1x64xi32, #tpu.memory_space<vmem>>
      %dma_wait3A_61 = tpu.memref_squeeze %dma_wait3A_60 : memref<1x64xi32, #tpu.memory_space<vmem>> -> memref<64xi32, #tpu.memory_space<vmem>>
      %dma_wait3A_62 = arith.constant 0 : i32
      %dma_wait3A_63 = tpu.memref_slice %arg3[%add3A, %run_scoped3A, %dma_wait3A_62] : memref<32x162x64xi32, #tpu.memory_space<hbm>> -> memref<1x1x64xi32, #tpu.memory_space<hbm>>
      %dma_wait3A_64 = tpu.memref_squeeze %dma_wait3A_63 : memref<1x1x64xi32, #tpu.memory_space<hbm>> -> memref<64xi32, #tpu.memory_space<hbm>>
      tpu.wait_dma2 semaphore(%run_scoped3A_41 : memref<!tpu.dma_semaphore, #tpu.memory_space<semaphore_mem>>) src(%dma_wait3A_64 : memref<64xi32, #tpu.memory_space<hbm>>) dst(%dma_wait3A_61 : memref<64xi32, #tpu.memory_space<vmem>>)
      tpu.yield
    }) : () -> ()
    %scan3A_23 = arith.constant 0 : i32
    %scan3A_24 = arith.constant 0 : i32
    %scan3A_25 = arith.constant 4 : i32
    %scan3A_26 = arith.addi %scan3A_24, %scan3A_25 : i32
    %scan3A_27 = arith.constant 1 : i32
    scf.for %scan3A_41 = %scan3A_24 to %scan3A_26 step %scan3A_27  : i32 {
      %mul3A_42 = arith.constant 16 : i32
      %mul3A_43 = arith.muli %scan3A_41, %mul3A_42 : i32
      %get3A_44 = arith.constant 0 : i32
      %get3A_45 = arith.index_cast %get3A_44 : i32 to index
      %get3A_46 = arith.index_cast %mul3A_43 : i32 to index
      %get3A_47 = tpu.vector_load %arg12[%get3A_45, %get3A_46] {strides = array<i32>} : memref<2x64xi32, #tpu.memory_space<vmem>>, vector<16xi32>,
      %shift_right_logical3A = arith.constant 14 : i32
      %shift_right_logical3A_48 = vector.broadcast %shift_right_logical3A : i32 to vector<16xi32>
      %shift_right_logical3A_49 = arith.shrui %get3A_47, %shift_right_logical3A_48 : vector<16xi32>
      %mul3A_50 = arith.constant 16 : i32
      %mul3A_51 = arith.muli %scan3A_41, %mul3A_50 : i32
      %swap3A = arith.index_cast %mul3A_51 : i32 to index
      %swap3A_52 = tpu.vector_load %arg13[%swap3A] {strides = array<i32>} : memref<64xi32, #tpu.memory_space<vmem>>, vector<16xi32>,
      tpu.vector_store %arg13[%swap3A], %shift_right_logical3A_49 {strides = array<i32>} : memref<64xi32, #tpu.memory_space<vmem>>, vector<16xi32>,
      %broadcast_in_dim3A_53 = arith.constant 16383 : i32
      %broadcast_in_dim3A_54 = vector.broadcast %broadcast_in_dim3A_53 : i32 to vector<16xi32>
      %and3A = arith.andi %get3A_47, %broadcast_in_dim3A_54 : vector<16xi32>
      %mul3A_55 = arith.constant 16 : i32
      %mul3A_56 = arith.muli %scan3A_41, %mul3A_55 : i32
      %swap3A_57 = arith.index_cast %mul3A_56 : i32 to index
      %swap3A_58 = tpu.vector_load %arg15[%swap3A_57] {strides = array<i32>} : memref<64xi32, #tpu.memory_space<vmem>>, vector<16xi32>,
      tpu.vector_store %arg15[%swap3A_57], %and3A {strides = array<i32>} : memref<64xi32, #tpu.memory_space<vmem>>, vector<16xi32>,
    }
    %scan3A_28 = arith.constant 4 : i32
    %dma_start3A = arith.constant 0 : i32
    %dma_start3A_29 = arith.constant 0 : i32
    %dma_start3A_30 = tpu.memref_slice %arg2[%dma_start3A, %dma_start3A_29] : memref<10240x128xf32, #tpu.memory_space<hbm>> -> memref<10240x128xf32, #tpu.memory_space<hbm>>
    tpu.enqueue_indirect_dma source(%dma_start3A_30 : memref<10240x128xf32, #tpu.memory_space<hbm>>) target(%arg18 : memref<64x128xf32, #tpu.memory_space<vmem>>) offsets(%arg13 : memref<64xi32, #tpu.memory_space<vmem>>) semaphore(%arg22 : memref<!tpu.dma_semaphore, #tpu.memory_space<semaphore_mem>>)
    %scan3A_31 = arith.constant 0 : i32
    %scan3A_32 = arith.constant 0 : i32
    %scan3A_33 = arith.constant 81 : i32
    %scan3A_34 = arith.addi %scan3A_32, %scan3A_33 : i32
    %scan3A_35 = arith.constant 1 : i32
    scf.for %scan3A_41 = %scan3A_32 to %scan3A_34 step %scan3A_35  : i32 {
      %mul3A_42 = arith.constant 2 : i32
      %mul3A_43 = arith.muli %mul3A_42, %scan3A_41 : i32
      %add3A_44 = arith.constant 1 : i32
      %add3A_45 = arith.addi %mul3A_43, %add3A_44 : i32
      %run_scoped3A_46 = arith.constant 1 : i32
      "tpu.region"() ({
        %run_scoped3A_89 = tpu.sem_alloc : memref<!tpu.dma_semaphore, #tpu.memory_space<semaphore_mem>>
        %dma_start3A_90 = arith.constant 0 : i32
        %dma_start3A_91 = tpu.memref_slice %arg12[%run_scoped3A_46, %dma_start3A_90] : memref<2x64xi32, #tpu.memory_space<vmem>> -> memref<1x64xi32, #tpu.memory_space<vmem>>
        %dma_start3A_92 = tpu.memref_squeeze %dma_start3A_91 : memref<1x64xi32, #tpu.memory_space<vmem>> -> memref<64xi32, #tpu.memory_space<vmem>>
        %dma_start3A_93 = arith.constant 0 : i32
        %dma_start3A_94 = tpu.memref_slice %arg3[%add3A, %add3A_45, %dma_start3A_93] : memref<32x162x64xi32, #tpu.memory_space<hbm>> -> memref<1x1x64xi32, #tpu.memory_space<hbm>>
        %dma_start3A_95 = tpu.memref_squeeze %dma_start3A_94 : memref<1x1x64xi32, #tpu.memory_space<hbm>> -> memref<64xi32, #tpu.memory_space<hbm>>
        %dma_start3A_96 = arith.constant 0 : i32
        %dma_start3A_97 = tpu.memref_slice %arg12[%run_scoped3A_46, %dma_start3A_96] : memref<2x64xi32, #tpu.memory_space<vmem>> -> memref<1x64xi32, #tpu.memory_space<vmem>>
        %dma_start3A_98 = tpu.memref_squeeze %dma_start3A_97 : memref<1x64xi32, #tpu.memory_space<vmem>> -> memref<64xi32, #tpu.memory_space<vmem>>
        %dma_start3A_99 = arith.constant 0 : i32
        %dma_start3A_100 = tpu.memref_slice %arg3[%add3A, %add3A_45, %dma_start3A_99] : memref<32x162x64xi32, #tpu.memory_space<hbm>> -> memref<1x1x64xi32, #tpu.memory_space<hbm>>
        %dma_start3A_101 = tpu.memref_squeeze %dma_start3A_100 : memref<1x1x64xi32, #tpu.memory_space<hbm>> -> memref<64xi32, #tpu.memory_space<hbm>>
        tpu.enqueue_dma source(%dma_start3A_101 : memref<64xi32, #tpu.memory_space<hbm>>) target(%dma_start3A_98 : memref<64xi32, #tpu.memory_space<vmem>>) target_semaphore(%run_scoped3A_89 : memref<!tpu.dma_semaphore, #tpu.memory_space<semaphore_mem>>)
        %dma_wait3A_102 = arith.constant 0 : i32
        %dma_wait3A_103 = tpu.memref_slice %arg12[%run_scoped3A_46, %dma_wait3A_102] : memref<2x64xi32, #tpu.memory_space<vmem>> -> memref<1x64xi32, #tpu.memory_space<vmem>>
        %dma_wait3A_104 = tpu.memref_squeeze %dma_wait3A_103 : memref<1x64xi32, #tpu.memory_space<vmem>> -> memref<64xi32, #tpu.memory_space<vmem>>
        %dma_wait3A_105 = arith.constant 0 : i32
        %dma_wait3A_106 = tpu.memref_slice %arg3[%add3A, %add3A_45, %dma_wait3A_105] : memref<32x162x64xi32, #tpu.memory_space<hbm>> -> memref<1x1x64xi32, #tpu.memory_space<hbm>>
        %dma_wait3A_107 = tpu.memref_squeeze %dma_wait3A_106 : memref<1x1x64xi32, #tpu.memory_space<hbm>> -> memref<64xi32, #tpu.memory_space<hbm>>
        %dma_wait3A_108 = arith.constant 0 : i32
        %dma_wait3A_109 = tpu.memref_slice %arg12[%run_scoped3A_46, %dma_wait3A_108] : memref<2x64xi32, #tpu.memory_space<vmem>> -> memref<1x64xi32, #tpu.memory_space<vmem>>
        %dma_wait3A_110 = tpu.memref_squeeze %dma_wait3A_109 : memref<1x64xi32, #tpu.memory_space<vmem>> -> memref<64xi32, #tpu.memory_space<vmem>>
        %dma_wait3A_111 = arith.constant 0 : i32
        %dma_wait3A_112 = tpu.memref_slice %arg3[%add3A, %add3A_45, %dma_wait3A_111] : memref<32x162x64xi32, #tpu.memory_space<hbm>> -> memref<1x1x64xi32, #tpu.memory_space<hbm>>
        %dma_wait3A_113 = tpu.memref_squeeze %dma_wait3A_112 : memref<1x1x64xi32, #tpu.memory_space<hbm>> -> memref<64xi32, #tpu.memory_space<hbm>>
        tpu.wait_dma2 semaphore(%run_scoped3A_89 : memref<!tpu.dma_semaphore, #tpu.memory_space<semaphore_mem>>) src(%dma_wait3A_113 : memref<64xi32, #tpu.memory_space<hbm>>) dst(%dma_wait3A_110 : memref<64xi32, #tpu.memory_space<vmem>>)
        tpu.yield
      }) : () -> ()
      %scan3A_47 = arith.constant 0 : i32
      %scan3A_48 = arith.constant 0 : i32
      %scan3A_49 = arith.constant 4 : i32
      %scan3A_50 = arith.addi %scan3A_48, %scan3A_49 : i32
      %scan3A_51 = arith.constant 1 : i32
      scf.for %scan3A_89 = %scan3A_48 to %scan3A_50 step %scan3A_51  : i32 {
        %mul3A_90 = arith.constant 16 : i32
        %mul3A_91 = arith.muli %scan3A_89, %mul3A_90 : i32
        %get3A_92 = arith.constant 1 : i32
        %get3A_93 = arith.index_cast %get3A_92 : i32 to index
        %get3A_94 = arith.index_cast %mul3A_91 : i32 to index
        %get3A_95 = tpu.vector_load %arg12[%get3A_93, %get3A_94] {strides = array<i32>} : memref<2x64xi32, #tpu.memory_space<vmem>>, vector<16xi32>,
        %shift_right_logical3A = arith.constant 14 : i32
        %shift_right_logical3A_96 = vector.broadcast %shift_right_logical3A : i32 to vector<16xi32>
        %shift_right_logical3A_97 = arith.shrui %get3A_95, %shift_right_logical3A_96 : vector<16xi32>
        %mul3A_98 = arith.constant 16 : i32
        %mul3A_99 = arith.muli %scan3A_89, %mul3A_98 : i32
        %swap3A = arith.index_cast %mul3A_99 : i32 to index
        %swap3A_100 = tpu.vector_load %arg14[%swap3A] {strides = array<i32>} : memref<64xi32, #tpu.memory_space<vmem>>, vector<16xi32>,
        tpu.vector_store %arg14[%swap3A], %shift_right_logical3A_97 {strides = array<i32>} : memref<64xi32, #tpu.memory_space<vmem>>, vector<16xi32>,
        %broadcast_in_dim3A_101 = arith.constant 16383 : i32
        %broadcast_in_dim3A_102 = vector.broadcast %broadcast_in_dim3A_101 : i32 to vector<16xi32>
        %and3A = arith.andi %get3A_95, %broadcast_in_dim3A_102 : vector<16xi32>
        %mul3A_103 = arith.constant 16 : i32
        %mul3A_104 = arith.muli %scan3A_89, %mul3A_103 : i32
        %swap3A_105 = arith.index_cast %mul3A_104 : i32 to index
        %swap3A_106 = tpu.vector_load %arg16[%swap3A_105] {strides = array<i32>} : memref<64xi32, #tpu.memory_space<vmem>>, vector<16xi32>,
        tpu.vector_store %arg16[%swap3A_105], %and3A {strides = array<i32>} : memref<64xi32, #tpu.memory_space<vmem>>, vector<16xi32>,
      }
      %scan3A_52 = arith.constant 4 : i32
      %dma_start3A_53 = arith.constant 0 : i32
      %dma_start3A_54 = arith.constant 0 : i32
      %dma_start3A_55 = tpu.memref_slice %arg2[%dma_start3A_53, %dma_start3A_54] : memref<10240x128xf32, #tpu.memory_space<hbm>> -> memref<10240x128xf32, #tpu.memory_space<hbm>>
      tpu.enqueue_indirect_dma source(%dma_start3A_55 : memref<10240x128xf32, #tpu.memory_space<hbm>>) target(%arg19 : memref<64x128xf32, #tpu.memory_space<vmem>>) offsets(%arg14 : memref<64xi32, #tpu.memory_space<vmem>>) semaphore(%arg23 : memref<!tpu.dma_semaphore, #tpu.memory_space<semaphore_mem>>)
      %scan3A_56 = arith.constant 0 : i32
      %scan3A_57 = arith.constant 0 : i32
      %scan3A_58 = arith.constant 4 : i32
      %scan3A_59 = arith.addi %scan3A_57, %scan3A_58 : i32
      %scan3A_60 = arith.constant 1 : i32
      scf.for %scan3A_89 = %scan3A_57 to %scan3A_59 step %scan3A_60  : i32 {
        %mul3A_90 = arith.constant 16 : i32
        %mul3A_91 = arith.muli %scan3A_89, %mul3A_90 : i32
        %get3A_92 = arith.index_cast %mul3A_91 : i32 to index
        %get3A_93 = tpu.vector_load %arg13[%get3A_92] {strides = array<i32>} : memref<64xi32, #tpu.memory_space<vmem>>, vector<16xi32>,
        %mul3A_94 = arith.constant 16 : i32
        %mul3A_95 = arith.muli %scan3A_89, %mul3A_94 : i32
        %get3A_96 = arith.index_cast %mul3A_95 : i32 to index
        %get3A_97 = tpu.vector_load %arg15[%get3A_96] {strides = array<i32>} : memref<64xi32, #tpu.memory_space<vmem>>, vector<16xi32>,
        %gather3A = tpu.vector_load_idx %arg9[%get3A_93] : memref<10016xf32, #tpu.memory_space<vmem>>[vector<16xi32>], vector<16xf32>,
        %gather3A_98 = tpu.vector_load_idx %arg10[%get3A_97] : memref<10016xf32, #tpu.memory_space<vmem>>[vector<16xi32>], vector<16xf32>,
        %add3A_99 = arith.addf %gather3A, %gather3A_98 : vector<16xf32>
        %gt3A = arith.constant 0.000000e+00 : f32
        %gt3A_100 = vector.broadcast %gt3A : f32 to vector<16xf32>
        %gt3A_101 = arith.cmpf ogt, %add3A_99, %gt3A_100 : vector<16xf32>
        %mul3A_102 = arith.constant 2.000000e-01 : f32
        %mul3A_103 = vector.broadcast %mul3A_102 : f32 to vector<16xf32>
        %mul3A_104 = arith.mulf %mul3A_103, %add3A_99 : vector<16xf32>
        %select_n3A = arith.select %gt3A_101, %add3A_99, %mul3A_104 : vector<16xi1>, vector<16xf32>
        %sub3A = arith.subf %select_n3A, %get3A_1 : vector<16xf32>
        %exp3A = math.exp %sub3A : vector<16xf32>
        %mul3A_105 = arith.constant 16 : i32
        %mul3A_106 = arith.muli %scan3A_89, %mul3A_105 : i32
        %swap3A = arith.index_cast %mul3A_106 : i32 to index
        %swap3A_107 = tpu.vector_load %arg17[%swap3A] {strides = array<i32>} : memref<64xf32, #tpu.memory_space<vmem>>, vector<16xf32>,
        tpu.vector_store %arg17[%swap3A], %exp3A {strides = array<i32>} : memref<64xf32, #tpu.memory_space<vmem>>, vector<16xf32>,
        tpu.vector_store_idx %arg11[%get3A_97], %exp3A {add = true} : memref<10016xf32, #tpu.memory_space<vmem>>[vector<16xi32>], vector<16xf32>,
      }
      %scan3A_61 = arith.constant 4 : i32
      %dma_wait3A = arith.constant 0 : i32
      %dma_wait3A_62 = arith.constant 0 : i32
      %dma_wait3A_63 = tpu.memref_slice %arg2[%dma_wait3A, %dma_wait3A_62] : memref<10240x128xf32, #tpu.memory_space<hbm>> -> memref<10240x128xf32, #tpu.memory_space<hbm>>
      tpu.wait_indirect_dma semaphore(%arg22 : memref<!tpu.dma_semaphore, #tpu.memory_space<semaphore_mem>>) src(%dma_wait3A_63 : memref<10240x128xf32, #tpu.memory_space<hbm>>) dst(%arg18 : memref<64x128xf32, #tpu.memory_space<vmem>>)
      %scan3A_64 = arith.constant 0 : i32
      %scan3A_65 = arith.constant 0 : i32
      %scan3A_66 = arith.constant 64 : i32
      %scan3A_67 = arith.addi %scan3A_65, %scan3A_66 : i32
      %scan3A_68 = arith.constant 1 : i32
      scf.for %scan3A_89 = %scan3A_65 to %scan3A_67 step %scan3A_68  : i32 {
        %broadcast_in_dim3A_90 = vector.broadcast %scan3A_89 : i32 to vector<16xi32>
        %gather3A = tpu.vector_load_idx %arg17[%broadcast_in_dim3A_90] : memref<64xf32, #tpu.memory_space<vmem>>[vector<16xi32>], vector<16xf32>,
        %get3A_91 = arith.index_cast %scan3A_89 : i32 to index
        %get3A_92 = arith.constant 0 : index
        %get3A_93 = tpu.vector_load %arg18[%get3A_91, %get3A_92] {strides = array<i32>} : memref<64x128xf32, #tpu.memory_space<vmem>>, vector<16xf32>,
        %mul3A_94 = arith.mulf %get3A_93, %gather3A : vector<16xf32>
        %swap3A = arith.index_cast %scan3A_89 : i32 to index
        %swap3A_95 = arith.constant 0 : index
        %swap3A_96 = tpu.vector_load %arg18[%swap3A, %swap3A_95] {strides = array<i32>} : memref<64x128xf32, #tpu.memory_space<vmem>>, vector<16xf32>,
        tpu.vector_store %arg18[%swap3A, %swap3A_95], %mul3A_94 {strides = array<i32>} : memref<64x128xf32, #tpu.memory_space<vmem>>, vector<16xf32>,
        %get3A_97 = arith.index_cast %scan3A_89 : i32 to index
        %get3A_98 = arith.constant 16 : index
        %get3A_99 = tpu.vector_load %arg18[%get3A_97, %get3A_98] {strides = array<i32>} : memref<64x128xf32, #tpu.memory_space<vmem>>, vector<16xf32>,
        %mul3A_100 = arith.mulf %get3A_99, %gather3A : vector<16xf32>
        %swap3A_101 = arith.index_cast %scan3A_89 : i32 to index
        %swap3A_102 = arith.constant 16 : index
        %swap3A_103 = tpu.vector_load %arg18[%swap3A_101, %swap3A_102] {strides = array<i32>} : memref<64x128xf32, #tpu.memory_space<vmem>>, vector<16xf32>,
        tpu.vector_store %arg18[%swap3A_101, %swap3A_102], %mul3A_100 {strides = array<i32>} : memref<64x128xf32, #tpu.memory_space<vmem>>, vector<16xf32>,
        %get3A_104 = arith.index_cast %scan3A_89 : i32 to index
        %get3A_105 = arith.constant 32 : index
        %get3A_106 = tpu.vector_load %arg18[%get3A_104, %get3A_105] {strides = array<i32>} : memref<64x128xf32, #tpu.memory_space<vmem>>, vector<16xf32>,
        %mul3A_107 = arith.mulf %get3A_106, %gather3A : vector<16xf32>
        %swap3A_108 = arith.index_cast %scan3A_89 : i32 to index
        %swap3A_109 = arith.constant 32 : index
        %swap3A_110 = tpu.vector_load %arg18[%swap3A_108, %swap3A_109] {strides = array<i32>} : memref<64x128xf32, #tpu.memory_space<vmem>>, vector<16xf32>,
        tpu.vector_store %arg18[%swap3A_108, %swap3A_109], %mul3A_107 {strides = array<i32>} : memref<64x128xf32, #tpu.memory_space<vmem>>, vector<16xf32>,
        %get3A_111 = arith.index_cast %scan3A_89 : i32 to index
        %get3A_112 = arith.constant 48 : index
        %get3A_113 = tpu.vector_load %arg18[%get3A_111, %get3A_112] {strides = array<i32>} : memref<64x128xf32, #tpu.memory_space<vmem>>, vector<16xf32>,
        %mul3A_114 = arith.mulf %get3A_113, %gather3A : vector<16xf32>
        %swap3A_115 = arith.index_cast %scan3A_89 : i32 to index
        %swap3A_116 = arith.constant 48 : index
        %swap3A_117 = tpu.vector_load %arg18[%swap3A_115, %swap3A_116] {strides = array<i32>} : memref<64x128xf32, #tpu.memory_space<vmem>>, vector<16xf32>,
        tpu.vector_store %arg18[%swap3A_115, %swap3A_116], %mul3A_114 {strides = array<i32>} : memref<64x128xf32, #tpu.memory_space<vmem>>, vector<16xf32>,
        %get3A_118 = arith.index_cast %scan3A_89 : i32 to index
        %get3A_119 = arith.constant 64 : index
        %get3A_120 = tpu.vector_load %arg18[%get3A_118, %get3A_119] {strides = array<i32>} : memref<64x128xf32, #tpu.memory_space<vmem>>, vector<16xf32>,
        %mul3A_121 = arith.mulf %get3A_120, %gather3A : vector<16xf32>
        %swap3A_122 = arith.index_cast %scan3A_89 : i32 to index
        %swap3A_123 = arith.constant 64 : index
        %swap3A_124 = tpu.vector_load %arg18[%swap3A_122, %swap3A_123] {strides = array<i32>} : memref<64x128xf32, #tpu.memory_space<vmem>>, vector<16xf32>,
        tpu.vector_store %arg18[%swap3A_122, %swap3A_123], %mul3A_121 {strides = array<i32>} : memref<64x128xf32, #tpu.memory_space<vmem>>, vector<16xf32>,
        %get3A_125 = arith.index_cast %scan3A_89 : i32 to index
        %get3A_126 = arith.constant 80 : index
        %get3A_127 = tpu.vector_load %arg18[%get3A_125, %get3A_126] {strides = array<i32>} : memref<64x128xf32, #tpu.memory_space<vmem>>, vector<16xf32>,
        %mul3A_128 = arith.mulf %get3A_127, %gather3A : vector<16xf32>
        %swap3A_129 = arith.index_cast %scan3A_89 : i32 to index
        %swap3A_130 = arith.constant 80 : index
        %swap3A_131 = tpu.vector_load %arg18[%swap3A_129, %swap3A_130] {strides = array<i32>} : memref<64x128xf32, #tpu.memory_space<vmem>>, vector<16xf32>,
        tpu.vector_store %arg18[%swap3A_129, %swap3A_130], %mul3A_128 {strides = array<i32>} : memref<64x128xf32, #tpu.memory_space<vmem>>, vector<16xf32>,
        %get3A_132 = arith.index_cast %scan3A_89 : i32 to index
        %get3A_133 = arith.constant 96 : index
        %get3A_134 = tpu.vector_load %arg18[%get3A_132, %get3A_133] {strides = array<i32>} : memref<64x128xf32, #tpu.memory_space<vmem>>, vector<16xf32>,
        %mul3A_135 = arith.mulf %get3A_134, %gather3A : vector<16xf32>
        %swap3A_136 = arith.index_cast %scan3A_89 : i32 to index
        %swap3A_137 = arith.constant 96 : index
        %swap3A_138 = tpu.vector_load %arg18[%swap3A_136, %swap3A_137] {strides = array<i32>} : memref<64x128xf32, #tpu.memory_space<vmem>>, vector<16xf32>,
        tpu.vector_store %arg18[%swap3A_136, %swap3A_137], %mul3A_135 {strides = array<i32>} : memref<64x128xf32, #tpu.memory_space<vmem>>, vector<16xf32>,
        %get3A_139 = arith.index_cast %scan3A_89 : i32 to index
        %get3A_140 = arith.constant 112 : index
        %get3A_141 = tpu.vector_load %arg18[%get3A_139, %get3A_140] {strides = array<i32>} : memref<64x128xf32, #tpu.memory_space<vmem>>, vector<16xf32>,
        %mul3A_142 = arith.mulf %get3A_141, %gather3A : vector<16xf32>
        %swap3A_143 = arith.index_cast %scan3A_89 : i32 to index
        %swap3A_144 = arith.constant 112 : index
        %swap3A_145 = tpu.vector_load %arg18[%swap3A_143, %swap3A_144] {strides = array<i32>} : memref<64x128xf32, #tpu.memory_space<vmem>>, vector<16xf32>,
        tpu.vector_store %arg18[%swap3A_143, %swap3A_144], %mul3A_142 {strides = array<i32>} : memref<64x128xf32, #tpu.memory_space<vmem>>, vector<16xf32>,
      }
      %scan3A_69 = arith.constant 64 : i32
      "tpu.region"() ({
        %run_scoped3A_89 = tpu.sem_alloc : memref<!tpu.dma_semaphore, #tpu.memory_space<semaphore_mem>>
        %dma_start3A_90 = arith.constant 0 : i32
        %dma_start3A_91 = arith.constant 0 : i32
        %dma_start3A_92 = tpu.memref_slice %arg21[%dma_start3A_90, %dma_start3A_91] : memref<10240x128xf32, #tpu.memory_space<vmem_shared>> -> memref<10240x128xf32, #tpu.memory_space<vmem_shared>>
        tpu.enqueue_indirect_dma source(%arg18 : memref<64x128xf32, #tpu.memory_space<vmem>>) target(%dma_start3A_92 : memref<10240x128xf32, #tpu.memory_space<vmem_shared>>) offsets(%arg15 : memref<64xi32, #tpu.memory_space<vmem>>) semaphore(%run_scoped3A_89 : memref<!tpu.dma_semaphore, #tpu.memory_space<semaphore_mem>>) {add = true}
        %dma_wait3A_93 = arith.constant 0 : i32
        %dma_wait3A_94 = arith.constant 0 : i32
        %dma_wait3A_95 = tpu.memref_slice %arg21[%dma_wait3A_93, %dma_wait3A_94] : memref<10240x128xf32, #tpu.memory_space<vmem_shared>> -> memref<10240x128xf32, #tpu.memory_space<vmem_shared>>
        tpu.wait_indirect_dma semaphore(%run_scoped3A_89 : memref<!tpu.dma_semaphore, #tpu.memory_space<semaphore_mem>>) src(%arg18 : memref<64x128xf32, #tpu.memory_space<vmem>>) dst(%dma_wait3A_95 : memref<10240x128xf32, #tpu.memory_space<vmem_shared>>)
        tpu.yield
      }) : () -> ()
      %lt3A = arith.constant 80 : i32
      %lt3A_70 = arith.cmpi slt, %scan3A_41, %lt3A : i32
      %convert_element_type3A = arith.extui %lt3A_70 : i1 to i32
      %cond3A = arith.constant 0 : i32
      %cond3A_71 = arith.cmpi ne, %convert_element_type3A, %cond3A : i32
      scf.if %cond3A_71 {
        %add3A_89 = arith.constant 2 : i32
        %add3A_90 = arith.addi %mul3A_43, %add3A_89 : i32
        %run_scoped3A_91 = arith.constant 0 : i32
        "tpu.region"() ({
          %run_scoped3A_101 = tpu.sem_alloc : memref<!tpu.dma_semaphore, #tpu.memory_space<semaphore_mem>>
          %dma_start3A_102 = arith.constant 0 : i32
          %dma_start3A_103 = tpu.memref_slice %arg12[%run_scoped3A_91, %dma_start3A_102] : memref<2x64xi32, #tpu.memory_space<vmem>> -> memref<1x64xi32, #tpu.memory_space<vmem>>
          %dma_start3A_104 = tpu.memref_squeeze %dma_start3A_103 : memref<1x64xi32, #tpu.memory_space<vmem>> -> memref<64xi32, #tpu.memory_space<vmem>>
          %dma_start3A_105 = arith.constant 0 : i32
          %dma_start3A_106 = tpu.memref_slice %arg3[%add3A, %add3A_90, %dma_start3A_105] : memref<32x162x64xi32, #tpu.memory_space<hbm>> -> memref<1x1x64xi32, #tpu.memory_space<hbm>>
          %dma_start3A_107 = tpu.memref_squeeze %dma_start3A_106 : memref<1x1x64xi32, #tpu.memory_space<hbm>> -> memref<64xi32, #tpu.memory_space<hbm>>
          %dma_start3A_108 = arith.constant 0 : i32
          %dma_start3A_109 = tpu.memref_slice %arg12[%run_scoped3A_91, %dma_start3A_108] : memref<2x64xi32, #tpu.memory_space<vmem>> -> memref<1x64xi32, #tpu.memory_space<vmem>>
          %dma_start3A_110 = tpu.memref_squeeze %dma_start3A_109 : memref<1x64xi32, #tpu.memory_space<vmem>> -> memref<64xi32, #tpu.memory_space<vmem>>
          %dma_start3A_111 = arith.constant 0 : i32
          %dma_start3A_112 = tpu.memref_slice %arg3[%add3A, %add3A_90, %dma_start3A_111] : memref<32x162x64xi32, #tpu.memory_space<hbm>> -> memref<1x1x64xi32, #tpu.memory_space<hbm>>
          %dma_start3A_113 = tpu.memref_squeeze %dma_start3A_112 : memref<1x1x64xi32, #tpu.memory_space<hbm>> -> memref<64xi32, #tpu.memory_space<hbm>>
          tpu.enqueue_dma source(%dma_start3A_113 : memref<64xi32, #tpu.memory_space<hbm>>) target(%dma_start3A_110 : memref<64xi32, #tpu.memory_space<vmem>>) target_semaphore(%run_scoped3A_101 : memref<!tpu.dma_semaphore, #tpu.memory_space<semaphore_mem>>)
          %dma_wait3A_114 = arith.constant 0 : i32
          %dma_wait3A_115 = tpu.memref_slice %arg12[%run_scoped3A_91, %dma_wait3A_114] : memref<2x64xi32, #tpu.memory_space<vmem>> -> memref<1x64xi32, #tpu.memory_space<vmem>>
          %dma_wait3A_116 = tpu.memref_squeeze %dma_wait3A_115 : memref<1x64xi32, #tpu.memory_space<vmem>> -> memref<64xi32, #tpu.memory_space<vmem>>
          %dma_wait3A_117 = arith.constant 0 : i32
          %dma_wait3A_118 = tpu.memref_slice %arg3[%add3A, %add3A_90, %dma_wait3A_117] : memref<32x162x64xi32, #tpu.memory_space<hbm>> -> memref<1x1x64xi32, #tpu.memory_space<hbm>>
          %dma_wait3A_119 = tpu.memref_squeeze %dma_wait3A_118 : memref<1x1x64xi32, #tpu.memory_space<hbm>> -> memref<64xi32, #tpu.memory_space<hbm>>
          %dma_wait3A_120 = arith.constant 0 : i32
          %dma_wait3A_121 = tpu.memref_slice %arg12[%run_scoped3A_91, %dma_wait3A_120] : memref<2x64xi32, #tpu.memory_space<vmem>> -> memref<1x64xi32, #tpu.memory_space<vmem>>
          %dma_wait3A_122 = tpu.memref_squeeze %dma_wait3A_121 : memref<1x64xi32, #tpu.memory_space<vmem>> -> memref<64xi32, #tpu.memory_space<vmem>>
          %dma_wait3A_123 = arith.constant 0 : i32
          %dma_wait3A_124 = tpu.memref_slice %arg3[%add3A, %add3A_90, %dma_wait3A_123] : memref<32x162x64xi32, #tpu.memory_space<hbm>> -> memref<1x1x64xi32, #tpu.memory_space<hbm>>
          %dma_wait3A_125 = tpu.memref_squeeze %dma_wait3A_124 : memref<1x1x64xi32, #tpu.memory_space<hbm>> -> memref<64xi32, #tpu.memory_space<hbm>>
          tpu.wait_dma2 semaphore(%run_scoped3A_101 : memref<!tpu.dma_semaphore, #tpu.memory_space<semaphore_mem>>) src(%dma_wait3A_125 : memref<64xi32, #tpu.memory_space<hbm>>) dst(%dma_wait3A_122 : memref<64xi32, #tpu.memory_space<vmem>>)
          tpu.yield
        }) : () -> ()
        %scan3A_92 = arith.constant 0 : i32
        %scan3A_93 = arith.constant 0 : i32
        %scan3A_94 = arith.constant 4 : i32
        %scan3A_95 = arith.addi %scan3A_93, %scan3A_94 : i32
        %scan3A_96 = arith.constant 1 : i32
        scf.for %scan3A_101 = %scan3A_93 to %scan3A_95 step %scan3A_96  : i32 {
          %mul3A_102 = arith.constant 16 : i32
          %mul3A_103 = arith.muli %scan3A_101, %mul3A_102 : i32
          %get3A_104 = arith.constant 0 : i32
          %get3A_105 = arith.index_cast %get3A_104 : i32 to index
          %get3A_106 = arith.index_cast %mul3A_103 : i32 to index
          %get3A_107 = tpu.vector_load %arg12[%get3A_105, %get3A_106] {strides = array<i32>} : memref<2x64xi32, #tpu.memory_space<vmem>>, vector<16xi32>,
          %shift_right_logical3A = arith.constant 14 : i32
          %shift_right_logical3A_108 = vector.broadcast %shift_right_logical3A : i32 to vector<16xi32>
          %shift_right_logical3A_109 = arith.shrui %get3A_107, %shift_right_logical3A_108 : vector<16xi32>
          %mul3A_110 = arith.constant 16 : i32
          %mul3A_111 = arith.muli %scan3A_101, %mul3A_110 : i32
          %swap3A = arith.index_cast %mul3A_111 : i32 to index
          %swap3A_112 = tpu.vector_load %arg13[%swap3A] {strides = array<i32>} : memref<64xi32, #tpu.memory_space<vmem>>, vector<16xi32>,
          tpu.vector_store %arg13[%swap3A], %shift_right_logical3A_109 {strides = array<i32>} : memref<64xi32, #tpu.memory_space<vmem>>, vector<16xi32>,
          %broadcast_in_dim3A_113 = arith.constant 16383 : i32
          %broadcast_in_dim3A_114 = vector.broadcast %broadcast_in_dim3A_113 : i32 to vector<16xi32>
          %and3A = arith.andi %get3A_107, %broadcast_in_dim3A_114 : vector<16xi32>
          %mul3A_115 = arith.constant 16 : i32
          %mul3A_116 = arith.muli %scan3A_101, %mul3A_115 : i32
          %swap3A_117 = arith.index_cast %mul3A_116 : i32 to index
          %swap3A_118 = tpu.vector_load %arg15[%swap3A_117] {strides = array<i32>} : memref<64xi32, #tpu.memory_space<vmem>>, vector<16xi32>,
          tpu.vector_store %arg15[%swap3A_117], %and3A {strides = array<i32>} : memref<64xi32, #tpu.memory_space<vmem>>, vector<16xi32>,
        }
        %scan3A_97 = arith.constant 4 : i32
        %dma_start3A_98 = arith.constant 0 : i32
        %dma_start3A_99 = arith.constant 0 : i32
        %dma_start3A_100 = tpu.memref_slice %arg2[%dma_start3A_98, %dma_start3A_99] : memref<10240x128xf32, #tpu.memory_space<hbm>> -> memref<10240x128xf32, #tpu.memory_space<hbm>>
        tpu.enqueue_indirect_dma source(%dma_start3A_100 : memref<10240x128xf32, #tpu.memory_space<hbm>>) target(%arg18 : memref<64x128xf32, #tpu.memory_space<vmem>>) offsets(%arg13 : memref<64xi32, #tpu.memory_space<vmem>>) semaphore(%arg22 : memref<!tpu.dma_semaphore, #tpu.memory_space<semaphore_mem>>)
      } else {
      }
      %add3A_72 = arith.constant 1 : i32
      %add3A_73 = arith.addi %mul3A_43, %add3A_72 : i32
      %scan3A_74 = arith.constant 0 : i32
      %scan3A_75 = arith.constant 0 : i32
      %scan3A_76 = arith.constant 4 : i32
      %scan3A_77 = arith.addi %scan3A_75, %scan3A_76 : i32
      %scan3A_78 = arith.constant 1 : i32
      scf.for %scan3A_89 = %scan3A_75 to %scan3A_77 step %scan3A_78  : i32 {
        %mul3A_90 = arith.constant 16 : i32
        %mul3A_91 = arith.muli %scan3A_89, %mul3A_90 : i32
        %get3A_92 = arith.index_cast %mul3A_91 : i32 to index
        %get3A_93 = tpu.vector_load %arg14[%get3A_92] {strides = array<i32>} : memref<64xi32, #tpu.memory_space<vmem>>, vector<16xi32>,
        %mul3A_94 = arith.constant 16 : i32
        %mul3A_95 = arith.muli %scan3A_89, %mul3A_94 : i32
        %get3A_96 = arith.index_cast %mul3A_95 : i32 to index
        %get3A_97 = tpu.vector_load %arg16[%get3A_96] {strides = array<i32>} : memref<64xi32, #tpu.memory_space<vmem>>, vector<16xi32>,
        %gather3A = tpu.vector_load_idx %arg9[%get3A_93] : memref<10016xf32, #tpu.memory_space<vmem>>[vector<16xi32>], vector<16xf32>,
        %gather3A_98 = tpu.vector_load_idx %arg10[%get3A_97] : memref<10016xf32, #tpu.memory_space<vmem>>[vector<16xi32>], vector<16xf32>,
        %add3A_99 = arith.addf %gather3A, %gather3A_98 : vector<16xf32>
        %gt3A = arith.constant 0.000000e+00 : f32
        %gt3A_100 = vector.broadcast %gt3A : f32 to vector<16xf32>
        %gt3A_101 = arith.cmpf ogt, %add3A_99, %gt3A_100 : vector<16xf32>
        %mul3A_102 = arith.constant 2.000000e-01 : f32
        %mul3A_103 = vector.broadcast %mul3A_102 : f32 to vector<16xf32>
        %mul3A_104 = arith.mulf %mul3A_103, %add3A_99 : vector<16xf32>
        %select_n3A = arith.select %gt3A_101, %add3A_99, %mul3A_104 : vector<16xi1>, vector<16xf32>
        %sub3A = arith.subf %select_n3A, %get3A_1 : vector<16xf32>
        %exp3A = math.exp %sub3A : vector<16xf32>
        %mul3A_105 = arith.constant 16 : i32
        %mul3A_106 = arith.muli %scan3A_89, %mul3A_105 : i32
        %swap3A = arith.index_cast %mul3A_106 : i32 to index
        %swap3A_107 = tpu.vector_load %arg17[%swap3A] {strides = array<i32>} : memref<64xf32, #tpu.memory_space<vmem>>, vector<16xf32>,
        tpu.vector_store %arg17[%swap3A], %exp3A {strides = array<i32>} : memref<64xf32, #tpu.memory_space<vmem>>, vector<16xf32>,
        tpu.vector_store_idx %arg11[%get3A_97], %exp3A {add = true} : memref<10016xf32, #tpu.memory_space<vmem>>[vector<16xi32>], vector<16xf32>,
      }
      %scan3A_79 = arith.constant 4 : i32
      %dma_wait3A_80 = arith.constant 0 : i32
      %dma_wait3A_81 = arith.constant 0 : i32
      %dma_wait3A_82 = tpu.memref_slice %arg2[%dma_wait3A_80, %dma_wait3A_81] : memref<10240x128xf32, #tpu.memory_space<hbm>> -> memref<10240x128xf32, #tpu.memory_space<hbm>>
      tpu.wait_indirect_dma semaphore(%arg23 : memref<!tpu.dma_semaphore, #tpu.memory_space<semaphore_mem>>) src(%dma_wait3A_82 : memref<10240x128xf32, #tpu.memory_space<hbm>>) dst(%arg19 : memref<64x128xf32, #tpu.memory_space<vmem>>)
      %scan3A_83 = arith.constant 0 : i32
      %scan3A_84 = arith.constant 0 : i32
      %scan3A_85 = arith.constant 64 : i32
      %scan3A_86 = arith.addi %scan3A_84, %scan3A_85 : i32
      %scan3A_87 = arith.constant 1 : i32
      scf.for %scan3A_89 = %scan3A_84 to %scan3A_86 step %scan3A_87  : i32 {
        %broadcast_in_dim3A_90 = vector.broadcast %scan3A_89 : i32 to vector<16xi32>
        %gather3A = tpu.vector_load_idx %arg17[%broadcast_in_dim3A_90] : memref<64xf32, #tpu.memory_space<vmem>>[vector<16xi32>], vector<16xf32>,
        %get3A_91 = arith.index_cast %scan3A_89 : i32 to index
        %get3A_92 = arith.constant 0 : index
        %get3A_93 = tpu.vector_load %arg19[%get3A_91, %get3A_92] {strides = array<i32>} : memref<64x128xf32, #tpu.memory_space<vmem>>, vector<16xf32>,
        %mul3A_94 = arith.mulf %get3A_93, %gather3A : vector<16xf32>
        %swap3A = arith.index_cast %scan3A_89 : i32 to index
        %swap3A_95 = arith.constant 0 : index
        %swap3A_96 = tpu.vector_load %arg19[%swap3A, %swap3A_95] {strides = array<i32>} : memref<64x128xf32, #tpu.memory_space<vmem>>, vector<16xf32>,
        tpu.vector_store %arg19[%swap3A, %swap3A_95], %mul3A_94 {strides = array<i32>} : memref<64x128xf32, #tpu.memory_space<vmem>>, vector<16xf32>,
        %get3A_97 = arith.index_cast %scan3A_89 : i32 to index
        %get3A_98 = arith.constant 16 : index
        %get3A_99 = tpu.vector_load %arg19[%get3A_97, %get3A_98] {strides = array<i32>} : memref<64x128xf32, #tpu.memory_space<vmem>>, vector<16xf32>,
        %mul3A_100 = arith.mulf %get3A_99, %gather3A : vector<16xf32>
        %swap3A_101 = arith.index_cast %scan3A_89 : i32 to index
        %swap3A_102 = arith.constant 16 : index
        %swap3A_103 = tpu.vector_load %arg19[%swap3A_101, %swap3A_102] {strides = array<i32>} : memref<64x128xf32, #tpu.memory_space<vmem>>, vector<16xf32>,
        tpu.vector_store %arg19[%swap3A_101, %swap3A_102], %mul3A_100 {strides = array<i32>} : memref<64x128xf32, #tpu.memory_space<vmem>>, vector<16xf32>,
        %get3A_104 = arith.index_cast %scan3A_89 : i32 to index
        %get3A_105 = arith.constant 32 : index
        %get3A_106 = tpu.vector_load %arg19[%get3A_104, %get3A_105] {strides = array<i32>} : memref<64x128xf32, #tpu.memory_space<vmem>>, vector<16xf32>,
        %mul3A_107 = arith.mulf %get3A_106, %gather3A : vector<16xf32>
        %swap3A_108 = arith.index_cast %scan3A_89 : i32 to index
        %swap3A_109 = arith.constant 32 : index
        %swap3A_110 = tpu.vector_load %arg19[%swap3A_108, %swap3A_109] {strides = array<i32>} : memref<64x128xf32, #tpu.memory_space<vmem>>, vector<16xf32>,
        tpu.vector_store %arg19[%swap3A_108, %swap3A_109], %mul3A_107 {strides = array<i32>} : memref<64x128xf32, #tpu.memory_space<vmem>>, vector<16xf32>,
        %get3A_111 = arith.index_cast %scan3A_89 : i32 to index
        %get3A_112 = arith.constant 48 : index
        %get3A_113 = tpu.vector_load %arg19[%get3A_111, %get3A_112] {strides = array<i32>} : memref<64x128xf32, #tpu.memory_space<vmem>>, vector<16xf32>,
        %mul3A_114 = arith.mulf %get3A_113, %gather3A : vector<16xf32>
        %swap3A_115 = arith.index_cast %scan3A_89 : i32 to index
        %swap3A_116 = arith.constant 48 : index
        %swap3A_117 = tpu.vector_load %arg19[%swap3A_115, %swap3A_116] {strides = array<i32>} : memref<64x128xf32, #tpu.memory_space<vmem>>, vector<16xf32>,
        tpu.vector_store %arg19[%swap3A_115, %swap3A_116], %mul3A_114 {strides = array<i32>} : memref<64x128xf32, #tpu.memory_space<vmem>>, vector<16xf32>,
        %get3A_118 = arith.index_cast %scan3A_89 : i32 to index
        %get3A_119 = arith.constant 64 : index
        %get3A_120 = tpu.vector_load %arg19[%get3A_118, %get3A_119] {strides = array<i32>} : memref<64x128xf32, #tpu.memory_space<vmem>>, vector<16xf32>,
        %mul3A_121 = arith.mulf %get3A_120, %gather3A : vector<16xf32>
        %swap3A_122 = arith.index_cast %scan3A_89 : i32 to index
        %swap3A_123 = arith.constant 64 : index
        %swap3A_124 = tpu.vector_load %arg19[%swap3A_122, %swap3A_123] {strides = array<i32>} : memref<64x128xf32, #tpu.memory_space<vmem>>, vector<16xf32>,
        tpu.vector_store %arg19[%swap3A_122, %swap3A_123], %mul3A_121 {strides = array<i32>} : memref<64x128xf32, #tpu.memory_space<vmem>>, vector<16xf32>,
        %get3A_125 = arith.index_cast %scan3A_89 : i32 to index
        %get3A_126 = arith.constant 80 : index
        %get3A_127 = tpu.vector_load %arg19[%get3A_125, %get3A_126] {strides = array<i32>} : memref<64x128xf32, #tpu.memory_space<vmem>>, vector<16xf32>,
        %mul3A_128 = arith.mulf %get3A_127, %gather3A : vector<16xf32>
        %swap3A_129 = arith.index_cast %scan3A_89 : i32 to index
        %swap3A_130 = arith.constant 80 : index
        %swap3A_131 = tpu.vector_load %arg19[%swap3A_129, %swap3A_130] {strides = array<i32>} : memref<64x128xf32, #tpu.memory_space<vmem>>, vector<16xf32>,
        tpu.vector_store %arg19[%swap3A_129, %swap3A_130], %mul3A_128 {strides = array<i32>} : memref<64x128xf32, #tpu.memory_space<vmem>>, vector<16xf32>,
        %get3A_132 = arith.index_cast %scan3A_89 : i32 to index
        %get3A_133 = arith.constant 96 : index
        %get3A_134 = tpu.vector_load %arg19[%get3A_132, %get3A_133] {strides = array<i32>} : memref<64x128xf32, #tpu.memory_space<vmem>>, vector<16xf32>,
        %mul3A_135 = arith.mulf %get3A_134, %gather3A : vector<16xf32>
        %swap3A_136 = arith.index_cast %scan3A_89 : i32 to index
        %swap3A_137 = arith.constant 96 : index
        %swap3A_138 = tpu.vector_load %arg19[%swap3A_136, %swap3A_137] {strides = array<i32>} : memref<64x128xf32, #tpu.memory_space<vmem>>, vector<16xf32>,
        tpu.vector_store %arg19[%swap3A_136, %swap3A_137], %mul3A_135 {strides = array<i32>} : memref<64x128xf32, #tpu.memory_space<vmem>>, vector<16xf32>,
        %get3A_139 = arith.index_cast %scan3A_89 : i32 to index
        %get3A_140 = arith.constant 112 : index
        %get3A_141 = tpu.vector_load %arg19[%get3A_139, %get3A_140] {strides = array<i32>} : memref<64x128xf32, #tpu.memory_space<vmem>>, vector<16xf32>,
        %mul3A_142 = arith.mulf %get3A_141, %gather3A : vector<16xf32>
        %swap3A_143 = arith.index_cast %scan3A_89 : i32 to index
        %swap3A_144 = arith.constant 112 : index
        %swap3A_145 = tpu.vector_load %arg19[%swap3A_143, %swap3A_144] {strides = array<i32>} : memref<64x128xf32, #tpu.memory_space<vmem>>, vector<16xf32>,
        tpu.vector_store %arg19[%swap3A_143, %swap3A_144], %mul3A_142 {strides = array<i32>} : memref<64x128xf32, #tpu.memory_space<vmem>>, vector<16xf32>,
      }
      %scan3A_88 = arith.constant 64 : i32
      "tpu.region"() ({
        %run_scoped3A_89 = tpu.sem_alloc : memref<!tpu.dma_semaphore, #tpu.memory_space<semaphore_mem>>
        %dma_start3A_90 = arith.constant 0 : i32
        %dma_start3A_91 = arith.constant 0 : i32
        %dma_start3A_92 = tpu.memref_slice %arg21[%dma_start3A_90, %dma_start3A_91] : memref<10240x128xf32, #tpu.memory_space<vmem_shared>> -> memref<10240x128xf32, #tpu.memory_space<vmem_shared>>
        tpu.enqueue_indirect_dma source(%arg19 : memref<64x128xf32, #tpu.memory_space<vmem>>) target(%dma_start3A_92 : memref<10240x128xf32, #tpu.memory_space<vmem_shared>>) offsets(%arg16 : memref<64xi32, #tpu.memory_space<vmem>>) semaphore(%run_scoped3A_89 : memref<!tpu.dma_semaphore, #tpu.memory_space<semaphore_mem>>) {add = true}
        %dma_wait3A_93 = arith.constant 0 : i32
        %dma_wait3A_94 = arith.constant 0 : i32
        %dma_wait3A_95 = tpu.memref_slice %arg21[%dma_wait3A_93, %dma_wait3A_94] : memref<10240x128xf32, #tpu.memory_space<vmem_shared>> -> memref<10240x128xf32, #tpu.memory_space<vmem_shared>>
        tpu.wait_indirect_dma semaphore(%run_scoped3A_89 : memref<!tpu.dma_semaphore, #tpu.memory_space<semaphore_mem>>) src(%arg19 : memref<64x128xf32, #tpu.memory_space<vmem>>) dst(%dma_wait3A_95 : memref<10240x128xf32, #tpu.memory_space<vmem_shared>>)
        tpu.yield
      }) : () -> ()
    }
    %scan3A_36 = arith.constant 81 : i32
    %barrier3A_37 = arith.constant 0 : index
    tpu.barrier barrier_id(%barrier3A_37)
    %mul3A_38 = arith.constant 10240 : i32
    %mul3A_39 = arith.muli %arg0, %mul3A_38 : i32
    %add3A_40 = arith.addi %mul3A_39, %mul3A_15 : i32
    "tpu.region"() ({
      %run_scoped3A_41 = tpu.sem_alloc : memref<!tpu.dma_semaphore, #tpu.memory_space<semaphore_mem>>
      %dma_start3A_42 = arith.constant 0 : i32
      %dma_start3A_43 = tpu.memref_slice %arg7[%add3A_40, %dma_start3A_42] : memref<20480x128xf32, #tpu.memory_space<hbm>> -> memref<640x128xf32, #tpu.memory_space<hbm>>
      %dma_start3A_44 = arith.constant 0 : i32
      %dma_start3A_45 = tpu.memref_slice %arg21[%mul3A_15, %dma_start3A_44] : memref<10240x128xf32, #tpu.memory_space<vmem_shared>> -> memref<640x128xf32, #tpu.memory_space<vmem_shared>>
      tpu.enqueue_dma source(%dma_start3A_45 : memref<640x128xf32, #tpu.memory_space<vmem_shared>>) target(%dma_start3A_43 : memref<640x128xf32, #tpu.memory_space<hbm>>) target_semaphore(%run_scoped3A_41 : memref<!tpu.dma_semaphore, #tpu.memory_space<semaphore_mem>>)
      %dma_wait3A = arith.constant 0 : i32
      %dma_wait3A_46 = tpu.memref_slice %arg7[%add3A_40, %dma_wait3A] : memref<20480x128xf32, #tpu.memory_space<hbm>> -> memref<640x128xf32, #tpu.memory_space<hbm>>
      %dma_wait3A_47 = arith.constant 0 : i32
      %dma_wait3A_48 = tpu.memref_slice %arg21[%mul3A_15, %dma_wait3A_47] : memref<10240x128xf32, #tpu.memory_space<vmem_shared>> -> memref<640x128xf32, #tpu.memory_space<vmem_shared>>
      tpu.wait_dma2 semaphore(%run_scoped3A_41 : memref<!tpu.dma_semaphore, #tpu.memory_space<semaphore_mem>>) src(%dma_wait3A_48 : memref<640x128xf32, #tpu.memory_space<vmem_shared>>) dst(%dma_wait3A_46 : memref<640x128xf32, #tpu.memory_space<hbm>>)
      tpu.yield
    }) : () -> ()
    "tpu.region"() ({
      %run_scoped3A_41 = tpu.sem_alloc : memref<!tpu.dma_semaphore, #tpu.memory_space<semaphore_mem>>
      %dma_start3A_42 = arith.constant 0 : i32
      %dma_start3A_43 = tpu.memref_slice %arg8[%add3A, %dma_start3A_42] : memref<32x10016xf32, #tpu.memory_space<hbm>> -> memref<1x10016xf32, #tpu.memory_space<hbm>>
      %dma_start3A_44 = tpu.memref_squeeze %dma_start3A_43 : memref<1x10016xf32, #tpu.memory_space<hbm>> -> memref<10016xf32, #tpu.memory_space<hbm>>
      %dma_start3A_45 = arith.constant 0 : i32
      %dma_start3A_46 = tpu.memref_slice %arg8[%add3A, %dma_start3A_45] : memref<32x10016xf32, #tpu.memory_space<hbm>> -> memref<1x10016xf32, #tpu.memory_space<hbm>>
      %dma_start3A_47 = tpu.memref_squeeze %dma_start3A_46 : memref<1x10016xf32, #tpu.memory_space<hbm>> -> memref<10016xf32, #tpu.memory_space<hbm>>
      tpu.enqueue_dma source(%arg11 : memref<10016xf32, #tpu.memory_space<vmem>>) target(%dma_start3A_47 : memref<10016xf32, #tpu.memory_space<hbm>>) target_semaphore(%run_scoped3A_41 : memref<!tpu.dma_semaphore, #tpu.memory_space<semaphore_mem>>)
      %dma_wait3A = arith.constant 0 : i32
      %dma_wait3A_48 = tpu.memref_slice %arg8[%add3A, %dma_wait3A] : memref<32x10016xf32, #tpu.memory_space<hbm>> -> memref<1x10016xf32, #tpu.memory_space<hbm>>
      %dma_wait3A_49 = tpu.memref_squeeze %dma_wait3A_48 : memref<1x10016xf32, #tpu.memory_space<hbm>> -> memref<10016xf32, #tpu.memory_space<hbm>>
      %dma_wait3A_50 = arith.constant 0 : i32
      %dma_wait3A_51 = tpu.memref_slice %arg8[%add3A, %dma_wait3A_50] : memref<32x10016xf32, #tpu.memory_space<hbm>> -> memref<1x10016xf32, #tpu.memory_space<hbm>>
      %dma_wait3A_52 = tpu.memref_squeeze %dma_wait3A_51 : memref<1x10016xf32, #tpu.memory_space<hbm>> -> memref<10016xf32, #tpu.memory_space<hbm>>
      tpu.wait_dma2 semaphore(%run_scoped3A_41 : memref<!tpu.dma_semaphore, #tpu.memory_space<semaphore_mem>>) src(%arg11 : memref<10016xf32, #tpu.memory_space<vmem>>) dst(%dma_wait3A_52 : memref<10016xf32, #tpu.memory_space<hbm>>)
      tpu.yield
    }) : () -> ()
    return
  }
}

module attributes {stable_mosaic.version = 14 : i64} {
  func.func @_prologue_body(%arg0: i32, %arg1: memref<1024x128xf32, #tpu.memory_space<vmem>>, %arg2: memref<128x128xf32, #tpu.memory_space<vmem>>, %arg3: memref<128x1xf32, #tpu.memory_space<vmem>>, %arg4: memref<128x1xf32, #tpu.memory_space<vmem>>, %arg5: memref<1024x128xf32, #tpu.memory_space<vmem>>, %arg6: memref<1024x1xf32, #tpu.memory_space<vmem>>, %arg7: memref<1024x1xf32, #tpu.memory_space<vmem>>, %arg8: memref<1x1xf32, #tpu.memory_space<vmem>>, %arg9: memref<1x1xf32, #tpu.memory_space<vmem>>) attributes {dimension_semantics = [#tpu.dimension_semantics<arbitrary>], iteration_bounds = array<i64: 10>, scalar_prefetch = 0 : i64, scratch_operands = 0 : i64, tpu.core_type = #tpu.core_type<tc>, window_params = [{transform_indices = @transform_0, window_bounds = array<i64: 1024, 128>}, {pipeline_mode = #tpu.pipeline_mode<synchronous>, transform_indices = @transform_1, window_bounds = array<i64: 128, 128>}, {pipeline_mode = #tpu.pipeline_mode<synchronous>, transform_indices = @transform_2, window_bounds = array<i64: 128, 1>}, {pipeline_mode = #tpu.pipeline_mode<synchronous>, transform_indices = @transform_3, window_bounds = array<i64: 128, 1>}, {transform_indices = @transform_4, window_bounds = array<i64: 1024, 128>}, {transform_indices = @transform_5, window_bounds = array<i64: 1024, 1>}, {transform_indices = @transform_6, window_bounds = array<i64: 1024, 1>}, {pipeline_mode = #tpu.pipeline_mode<synchronous>, transform_indices = @transform_7, window_bounds = array<i64: 1, 1>}, {pipeline_mode = #tpu.pipeline_mode<synchronous>, transform_indices = @transform_8, window_bounds = array<i64: 1, 1>}]} {
    %get3A = arith.constant 0 : index
    %get3A_0 = arith.constant 0 : index
    %get3A_1 = vector.load %arg1[%get3A, %get3A_0] : memref<1024x128xf32, #tpu.memory_space<vmem>>, vector<1024x128xf32>
    %get3A_2 = arith.constant 0 : index
    %get3A_3 = arith.constant 0 : index
    %get3A_4 = vector.load %arg2[%get3A_2, %get3A_3] : memref<128x128xf32, #tpu.memory_space<vmem>>, vector<128x128xf32>
    %dot_general3A = arith.constant dense<0.000000e+00> : vector<1024x128xf32>
    %dot_general3A_5 = tpu.matmul %get3A_1, %get3A_4, %dot_general3A {dimension_numbers = #tpu.dot_dimension_numbers<[1], [0], [0], [1], [0, 0, 1, 1], [], []>, transpose_lhs_hint = false} : vector<1024x128xf32>, vector<128x128xf32>, vector<1024x128xf32> -> vector<1024x128xf32>
    %swap3A = arith.constant 0 : index
    %swap3A_6 = arith.constant 0 : index
    %swap3A_7 = vector.load %arg5[%swap3A, %swap3A_6] : memref<1024x128xf32, #tpu.memory_space<vmem>>, vector<1024x128xf32>
    tpu.vector_store %arg5[%swap3A, %swap3A_6], %dot_general3A_5 {strides = array<i32>} : memref<1024x128xf32, #tpu.memory_space<vmem>>, vector<1024x128xf32>,
    %get3A_8 = arith.constant 0 : index
    %get3A_9 = arith.constant 0 : index
    %get3A_10 = vector.load %arg3[%get3A_8, %get3A_9] : memref<128x1xf32, #tpu.memory_space<vmem>>, vector<128x1xf32>
    %dot_general3A_11 = arith.constant dense<0.000000e+00> : vector<1024x1xf32>
    %dot_general3A_12 = tpu.matmul %dot_general3A_5, %get3A_10, %dot_general3A_11 {dimension_numbers = #tpu.dot_dimension_numbers<[1], [0], [0], [1], [0, 0, 1, 1], [], []>, transpose_lhs_hint = false} : vector<1024x128xf32>, vector<128x1xf32>, vector<1024x1xf32> -> vector<1024x1xf32>
    %get3A_13 = arith.constant 0 : index
    %get3A_14 = arith.constant 0 : index
    %get3A_15 = vector.load %arg4[%get3A_13, %get3A_14] : memref<128x1xf32, #tpu.memory_space<vmem>>, vector<128x1xf32>
    %dot_general3A_16 = arith.constant dense<0.000000e+00> : vector<1024x1xf32>
    %dot_general3A_17 = tpu.matmul %dot_general3A_5, %get3A_15, %dot_general3A_16 {dimension_numbers = #tpu.dot_dimension_numbers<[1], [0], [0], [1], [0, 0, 1, 1], [], []>, transpose_lhs_hint = false} : vector<1024x128xf32>, vector<128x1xf32>, vector<1024x1xf32> -> vector<1024x1xf32>
    %swap3A_18 = arith.constant 0 : index
    %swap3A_19 = arith.constant 0 : index
    %swap3A_20 = vector.load %arg6[%swap3A_18, %swap3A_19] : memref<1024x1xf32, #tpu.memory_space<vmem>>, vector<1024x1xf32>
    tpu.vector_store %arg6[%swap3A_18, %swap3A_19], %dot_general3A_12 {strides = array<i32>} : memref<1024x1xf32, #tpu.memory_space<vmem>>, vector<1024x1xf32>,
    %swap3A_21 = arith.constant 0 : index
    %swap3A_22 = arith.constant 0 : index
    %swap3A_23 = vector.load %arg7[%swap3A_21, %swap3A_22] : memref<1024x1xf32, #tpu.memory_space<vmem>>, vector<1024x1xf32>
    tpu.vector_store %arg7[%swap3A_21, %swap3A_22], %dot_general3A_17 {strides = array<i32>} : memref<1024x1xf32, #tpu.memory_space<vmem>>, vector<1024x1xf32>,
    %reduce_max3A = vector.shape_cast %dot_general3A_12 : vector<1024x1xf32> to vector<1x1024x1xf32>
    %reduce_max3A_24 = arith.constant dense<0xFF800000> : vector<1xf32>
    %reduce_max3A_25 = vector.multi_reduction <maximumf>, %reduce_max3A, %reduce_max3A_24 [1, 2] : vector<1x1024x1xf32> to vector<1xf32>
    %reduce_max3A_26 = vector.shape_cast %reduce_max3A_25 : vector<1xf32> to vector<1x1x1xf32>
    %reduce_max3A_27 = vector.extract %reduce_max3A_26[0, 0, 0] : f32 from vector<1x1x1xf32>
    %reshape3A = vector.broadcast %reduce_max3A_27 : f32 to vector<1x1xf32>
    %reduce_max3A_28 = vector.shape_cast %dot_general3A_17 : vector<1024x1xf32> to vector<1x1024x1xf32>
    %reduce_max3A_29 = arith.constant dense<0xFF800000> : vector<1xf32>
    %reduce_max3A_30 = vector.multi_reduction <maximumf>, %reduce_max3A_28, %reduce_max3A_29 [1, 2] : vector<1x1024x1xf32> to vector<1xf32>
    %reduce_max3A_31 = vector.shape_cast %reduce_max3A_30 : vector<1xf32> to vector<1x1x1xf32>
    %reduce_max3A_32 = vector.extract %reduce_max3A_31[0, 0, 0] : f32 from vector<1x1x1xf32>
    %reshape3A_33 = vector.broadcast %reduce_max3A_32 : f32 to vector<1x1xf32>
    %eq3A = arith.constant 0 : i32
    %eq3A_34 = arith.cmpi eq, %arg0, %eq3A : i32
    %convert_element_type3A = arith.extui %eq3A_34 : i1 to i32
    %cond3A = arith.constant 0 : i32
    %cond3A_35 = arith.cmpi ne, %convert_element_type3A, %cond3A : i32
    scf.if %cond3A_35 {
      %swap3A_40 = arith.constant 0 : index
      %swap3A_41 = arith.constant 0 : index
      %swap3A_42 = vector.load %arg8[%swap3A_40, %swap3A_41] : memref<1x1xf32, #tpu.memory_space<vmem>>, vector<1x1xf32>
      tpu.vector_store %arg8[%swap3A_40, %swap3A_41], %reshape3A {strides = array<i32>} : memref<1x1xf32, #tpu.memory_space<vmem>>, vector<1x1xf32>,
      %swap3A_43 = arith.constant 0 : index
      %swap3A_44 = arith.constant 0 : index
      %swap3A_45 = vector.load %arg9[%swap3A_43, %swap3A_44] : memref<1x1xf32, #tpu.memory_space<vmem>>, vector<1x1xf32>
      tpu.vector_store %arg9[%swap3A_43, %swap3A_44], %reshape3A_33 {strides = array<i32>} : memref<1x1xf32, #tpu.memory_space<vmem>>, vector<1x1xf32>,
    } else {
    }
    %gt3A = arith.constant 0 : i32
    %gt3A_36 = arith.cmpi sgt, %arg0, %gt3A : i32
    %convert_element_type3A_37 = arith.extui %gt3A_36 : i1 to i32
    %cond3A_38 = arith.constant 0 : i32
    %cond3A_39 = arith.cmpi ne, %convert_element_type3A_37, %cond3A_38 : i32
    scf.if %cond3A_39 {
      %get3A_40 = arith.constant 0 : index
      %get3A_41 = arith.constant 0 : index
      %get3A_42 = vector.load %arg8[%get3A_40, %get3A_41] : memref<1x1xf32, #tpu.memory_space<vmem>>, vector<1x1xf32>
      %max3A = arith.maximumf %get3A_42, %reshape3A : vector<1x1xf32>
      %swap3A_43 = arith.constant 0 : index
      %swap3A_44 = arith.constant 0 : index
      %swap3A_45 = vector.load %arg8[%swap3A_43, %swap3A_44] : memref<1x1xf32, #tpu.memory_space<vmem>>, vector<1x1xf32>
      tpu.vector_store %arg8[%swap3A_43, %swap3A_44], %max3A {strides = array<i32>} : memref<1x1xf32, #tpu.memory_space<vmem>>, vector<1x1xf32>,
      %get3A_46 = arith.constant 0 : index
      %get3A_47 = arith.constant 0 : index
      %get3A_48 = vector.load %arg9[%get3A_46, %get3A_47] : memref<1x1xf32, #tpu.memory_space<vmem>>, vector<1x1xf32>
      %max3A_49 = arith.maximumf %get3A_48, %reshape3A_33 : vector<1x1xf32>
      %swap3A_50 = arith.constant 0 : index
      %swap3A_51 = arith.constant 0 : index
      %swap3A_52 = vector.load %arg9[%swap3A_50, %swap3A_51] : memref<1x1xf32, #tpu.memory_space<vmem>>, vector<1x1xf32>
      tpu.vector_store %arg9[%swap3A_50, %swap3A_51], %max3A_49 {strides = array<i32>} : memref<1x1xf32, #tpu.memory_space<vmem>>, vector<1x1xf32>,
    } else {
    }
    return
  }
  func.func @transform_0(%arg0: i32) -> (i32, i32) {
    %c0_i32 = arith.constant 0 : i32
    %c0_i32_0 = arith.constant 0 : i32
    return %arg0, %c0_i32 : i32, i32
  }
  func.func @transform_1(%arg0: i32) -> (i32, i32) {
    %c0_i32 = arith.constant 0 : i32
    %c0_i32_0 = arith.constant 0 : i32
    %c0_i32_1 = arith.constant 0 : i32
    return %c0_i32, %c0_i32_0 : i32, i32
  }
  func.func @transform_2(%arg0: i32) -> (i32, i32) {
    %c0_i32 = arith.constant 0 : i32
    %c0_i32_0 = arith.constant 0 : i32
    %c0_i32_1 = arith.constant 0 : i32
    return %c0_i32, %c0_i32_0 : i32, i32
  }
  func.func @transform_3(%arg0: i32) -> (i32, i32) {
    %c0_i32 = arith.constant 0 : i32
    %c0_i32_0 = arith.constant 0 : i32
    %c0_i32_1 = arith.constant 0 : i32
    return %c0_i32, %c0_i32_0 : i32, i32
  }
  func.func @transform_4(%arg0: i32) -> (i32, i32) {
    %c0_i32 = arith.constant 0 : i32
    %c0_i32_0 = arith.constant 0 : i32
    return %arg0, %c0_i32 : i32, i32
  }
  func.func @transform_5(%arg0: i32) -> (i32, i32) {
    %c0_i32 = arith.constant 0 : i32
    %c0_i32_0 = arith.constant 0 : i32
    return %arg0, %c0_i32 : i32, i32
  }
  func.func @transform_6(%arg0: i32) -> (i32, i32) {
    %c0_i32 = arith.constant 0 : i32
    %c0_i32_0 = arith.constant 0 : i32
    return %arg0, %c0_i32 : i32, i32
  }
  func.func @transform_7(%arg0: i32) -> (i32, i32) {
    %c0_i32 = arith.constant 0 : i32
    %c0_i32_0 = arith.constant 0 : i32
    %c0_i32_1 = arith.constant 0 : i32
    return %c0_i32, %c0_i32_0 : i32, i32
  }
  func.func @transform_8(%arg0: i32) -> (i32, i32) {
    %c0_i32 = arith.constant 0 : i32
    %c0_i32_0 = arith.constant 0 : i32
    %c0_i32_1 = arith.constant 0 : i32
    return %c0_i32, %c0_i32_0 : i32, i32
  }
}

module attributes {stable_mosaic.version = 14 : i64} {
  func.func @_epilogue_body(%arg0: i32, %arg1: memref<1024x128xf32, #tpu.memory_space<vmem>>, %arg2: memref<1024x128xf32, #tpu.memory_space<vmem>>, %arg3: memref<32x1024xf32, #tpu.memory_space<vmem>>, %arg4: memref<1x128xf32, #tpu.memory_space<vmem>>, %arg5: memref<1024x128xf32, #tpu.memory_space<vmem>>) attributes {dimension_semantics = [#tpu.dimension_semantics<arbitrary>], iteration_bounds = array<i64: 10>, scalar_prefetch = 0 : i64, scratch_operands = 0 : i64, tpu.core_type = #tpu.core_type<tc>, window_params = [{transform_indices = @transform_0, window_bounds = array<i64: 1024, 128>}, {transform_indices = @transform_1, window_bounds = array<i64: 1024, 128>}, {transform_indices = @transform_2, window_bounds = array<i64: 32, 1024>}, {pipeline_mode = #tpu.pipeline_mode<synchronous>, transform_indices = @transform_3, window_bounds = array<i64: 1, 128>}, {transform_indices = @transform_4, window_bounds = array<i64: 1024, 128>}]} {
    %get3A = arith.constant 0 : index
    %get3A_0 = arith.constant 0 : index
    %get3A_1 = vector.load %arg1[%get3A, %get3A_0] : memref<1024x128xf32, #tpu.memory_space<vmem>>, vector<1024x128xf32>
    %get3A_2 = arith.constant 0 : index
    %get3A_3 = arith.constant 0 : index
    %get3A_4 = vector.load %arg2[%get3A_2, %get3A_3] : memref<1024x128xf32, #tpu.memory_space<vmem>>, vector<1024x128xf32>
    %add3A = arith.addf %get3A_1, %get3A_4 : vector<1024x128xf32>
    %get3A_5 = arith.constant 0 : index
    %get3A_6 = arith.constant 0 : index
    %get3A_7 = vector.load %arg3[%get3A_5, %get3A_6] : memref<32x1024xf32, #tpu.memory_space<vmem>>, vector<32x1024xf32>
    %reduce_sum3A = arith.constant dense<0.000000e+00> : vector<1024xf32>
    %reduce_sum3A_8 = vector.multi_reduction <add>, %get3A_7, %reduce_sum3A [0] : vector<32x1024xf32> to vector<1024xf32>
    %broadcast_in_dim3A = vector.shape_cast %reduce_sum3A_8 : vector<1024xf32> to vector<1024x1xf32>
    %add3A_9 = arith.constant 1.000000e-16 : f32
    %add3A_10 = vector.broadcast %add3A_9 : f32 to vector<1024x1xf32>
    %add3A_11 = arith.addf %broadcast_in_dim3A, %add3A_10 : vector<1024x1xf32>
    %div3A = vector.broadcast %add3A_11 : vector<1024x1xf32> to vector<1024x128xf32>
    %div3A_12 = arith.divf %add3A, %div3A : vector<1024x128xf32>
    %get3A_13 = arith.constant 0 : index
    %get3A_14 = arith.constant 0 : index
    %get3A_15 = vector.load %arg4[%get3A_13, %get3A_14] : memref<1x128xf32, #tpu.memory_space<vmem>>, vector<1x128xf32>
    %add3A_16 = vector.broadcast %get3A_15 : vector<1x128xf32> to vector<1024x128xf32>
    %add3A_17 = arith.addf %div3A_12, %add3A_16 : vector<1024x128xf32>
    %gt3A = arith.constant 0.000000e+00 : f32
    %gt3A_18 = vector.broadcast %gt3A : f32 to vector<1024x128xf32>
    %gt3A_19 = arith.cmpf ogt, %add3A_17, %gt3A_18 : vector<1024x128xf32>
    %min3A = arith.constant 0.000000e+00 : f32
    %min3A_20 = vector.broadcast %min3A : f32 to vector<1024x128xf32>
    %min3A_21 = arith.minimumf %add3A_17, %min3A_20 : vector<1024x128xf32>
    %exp3A = math.exp %min3A_21 : vector<1024x128xf32>
    %sub3A = arith.constant 1.000000e+00 : f32
    %sub3A_22 = vector.broadcast %sub3A : f32 to vector<1024x128xf32>
    %sub3A_23 = arith.subf %exp3A, %sub3A_22 : vector<1024x128xf32>
    %select_n3A = arith.select %gt3A_19, %add3A_17, %sub3A_23 : vector<1024x128xi1>, vector<1024x128xf32>
    %swap3A = arith.constant 0 : index
    %swap3A_24 = arith.constant 0 : index
    %swap3A_25 = vector.load %arg5[%swap3A, %swap3A_24] : memref<1024x128xf32, #tpu.memory_space<vmem>>, vector<1024x128xf32>
    tpu.vector_store %arg5[%swap3A, %swap3A_24], %select_n3A {strides = array<i32>} : memref<1024x128xf32, #tpu.memory_space<vmem>>, vector<1024x128xf32>,
    return
  }
  func.func @transform_0(%arg0: i32) -> (i32, i32) {
    %c0_i32 = arith.constant 0 : i32
    %c0_i32_0 = arith.constant 0 : i32
    return %arg0, %c0_i32 : i32, i32
  }
  func.func @transform_1(%arg0: i32) -> (i32, i32) {
    %add3A = arith.constant 10 : i32
    %add3A_0 = arith.addi %arg0, %add3A : i32
    %c0_i32 = arith.constant 0 : i32
    %c0_i32_1 = arith.constant 0 : i32
    return %add3A_0, %c0_i32 : i32, i32
  }
  func.func @transform_2(%arg0: i32) -> (i32, i32) {
    %c0_i32 = arith.constant 0 : i32
    %c0_i32_0 = arith.constant 0 : i32
    return %c0_i32, %arg0 : i32, i32
  }
  func.func @transform_3(%arg0: i32) -> (i32, i32) {
    %c0_i32 = arith.constant 0 : i32
    %c0_i32_0 = arith.constant 0 : i32
    %c0_i32_1 = arith.constant 0 : i32
    return %c0_i32, %c0_i32_0 : i32, i32
  }
  func.func @transform_4(%arg0: i32) -> (i32, i32) {
    %c0_i32 = arith.constant 0 : i32
    %c0_i32_0 = arith.constant 0 : i32
    return %arg0, %c0_i32 : i32, i32
  }
}

</mosaic_0001>

<sc_bundles>
// kernel: kernel.5.cloned.1.call-start
scs
__scs_entry_jumppad:
0x0: {  	(pc) =	sbr.rel $0x88, $3  }
0x1: {  	(tag) =	ssettag $0x0;
	lr =	simm.s32 $0x1  }
0x2: {  	[smem:$0x3F9B] =	sst lr;
	_ =	strace $0xD0000000  }
0x3: {  	_ = 	snop  }
0x4: {  	_ = 	snop  }
0x5: {  	_ = 	snop  }
0x6: {  	_ = 	snop  }
0x7: {  	_ = 	snop  }
__scs_overlays_trampoline_lowered:
0x8: {  	[smem:$0x3FAA] =	sst s0  }
0x9: {  	[smem:$0x3FAB] =	sst s1  }
0xa: {  	[smem:$0x3FAC] =	sst s2  }
0xb: {  	[smem:$0x3FAD] =	sst s3  }
0xc: {  	[smem:$0x3FAE] =	sst s4  }
0xd: {  	[smem:$0x3FAF] =	sst s5  }
0xe: {  	[smem:$0x3FB0] =	sst s6  }
0xf: {  	[smem:$0x3FB1] =	sst s7  }
0x10: {  	[smem:$0x3FB2] =	sst s8  }
0x11: {  	[smem:$0x3FB3] =	sst s9;
	s0 =	simm.s32 @!p0 $0x0  }
0x12: {  	s1 =	sld [smem:$0x3F99];
	s0 =	simm.s32 @p0 $0x1  }
0x13: {  	[smem:$0x3FB4] =	sst s0;
	s0 =	simm.s32 @!p1 $0x0  }
0x14: {  	s2 =	sld [smem:$0x3F98];
	s0 =	simm.s32 @p1 $0x1  }
0x15: {  	[smem:$0x3FB5] =	sst s0;
	s0 =	simm.s32 @!p2 $0x0  }
0x16: {  	s3 =	sld [smem:$0x3FDB];
	s0 =	simm.s32 @p2 $0x1  }
0x17: {  	s4 =	simm.s32 $0x1BF5;
	[smem:$0x3FB7] =	sst s0  }
0x18: {  	s0 =	sld [smem:$0x3F9A];
	_ =	swait.ge [sflag:s4], $0x0  }
0x19: {  	s7 =	sld [smem:$0x3F9B]  }
0x1a: {  	s8 =	sadd.s32 $0xFFFFE003, lr  }
0x1b: {  	s9 =	sadd.s32 $0xFFFFFEF7, lr;
	s5 =	simm.s32 $0xFFFFFFFF;
	p2 =	slt.u32 s8, $0xFFFFF086  }
0x1c: {  	p1 =	slt.u32 s9, $0xF7A;
	s5 =	simm.s32 @!p2 $0x0  }
0x1d: {  	s5 =	simm.s32 @p1 $0x1;
	p0 =	seq.s32 s7, s2  }
0x1e: {  	s7 =	smul.u32 @!p0 $0xF7A, s2;
	p2 =	seq.s32 @!p0 s5, $0x0  }
0x1f: {  	s9 =	smul.u32 $0xF7A, s1;
	s8 =	simm.s32 @!p0 $0x1BF5;
	p2 =	por !p2, p0  }
0x20: {  	[sflag:s8] =	ssyncset.s32 @!p0 $0xFFFFF086;
	s6 =	sadd.s32 @!p0 s3, s7;
	s7 =	simm.s32 @!p0 $0x108  }
0x21: {  	s3 =	sadd.s32 s3, s9;
	s6 =	sadd.s32 @!p0 $0x88, s6;
	s7 =	simm.s32 @p2 $0x1082  }
0x22: {  	[simem:s7], [sflag:s8] =	dma.local @!p0 [hbm:s6], $0xF7A  }
0x23: {  	s9 =	sor.u32 $0xD0000000, s2;
	s6 =	simm.s32 $0x108;
	_ =	swait.ge @!p0 [sflag:s8], $0x0  }
0x24: {  	s3 =	sadd.s32 $0x88, s3;
	s6 =	simm.s32 @!p1 $0x1082;
	[sflag:s4] =	ssyncset.s32 $0xFFFFF086  }
0x25: {  	[simem:s6], [sflag:s4] =	dma.local [hbm:s3], $0xF7A  }
0x26: {  	[smem:$0x3F9B] =	sst s1;
	(tag) =	ssettag s2;
	_ =	strace s9  }
0x27: {  	s1 =	sld [smem:$0x3FAB]  }
0x28: {  	s2 =	sld [smem:$0x3FAC]  }
0x29: {  	s4 =	sld [smem:$0x3FAE]  }
0x2a: {  	p0 =	seq.s32 s5, $0x0;
	s5 =	sld [smem:$0x3FAF]  }
0x2b: {  	s6 =	sld [smem:$0x3FB0]  }
0x2c: {  	s7 =	sld [smem:$0x3FB1]  }
0x2d: {  	s3 =	simm.s32 $0x108;
	s8 =	sld [smem:$0x3FB2]  }
0x2e: {  	s3 =	simm.s32 @!p0 $0x1082;
	s9 =	sld [smem:$0x3FB3]  }
0x2f: {  	lr =	sadd.s32 s0, s3;
	s0 =	sld [smem:$0x3FAA]  }
0x30: {  	s3 =	sld [smem:$0x3FAD]  }
0x31: {  	[smem:$0x3FB6] =	sst s10  }
0x32: {  	s10 =	sld [smem:$0x3FB4];
	_ =	sdelay $0x3  }
0x33: {  	p0 =	seq.s32 s10, $0x1;
	s10 =	sld [smem:$0x3FB6];
	_ =	sdelay $0x3  }
0x34: {  	[smem:$0x3FB6] =	sst s10  }
0x35: {  	s10 =	sld [smem:$0x3FB5];
	_ =	sdelay $0x3  }
0x36: {  	p1 =	seq.s32 s10, $0x1;
	s10 =	sld [smem:$0x3FB6];
	_ =	sdelay $0x3  }
0x37: {  	[smem:$0x3FB6] =	sst s10  }
0x38: {  	s10 =	sld [smem:$0x3FB7]  }
0x39: {  	_ = 	snop;
	(pc) =	sbr.ind lr, $3  }
0x3a: {  	_ = 	snop  }
0x3b: {  	_ = 	snop  }
0x3c: {  	p2 =	seq.s32 s10, $0x1;
	s10 =	sld [smem:$0x3FB6]  }
0x3d: {  	_ =	shalt  }
0x3e: {  	_ =	shalt  }
0x3f: {  	_ =	shalt  }
0x40: {  	_ =	shalt  }
0x41: {  	_ =	shalt  }
0x42: {  	_ =	shalt  }
0x43: {  	_ =	shalt  }
0x44: {  	_ =	shalt  }
0x45: {  	_ =	shalt  }
0x46: {  	_ =	shalt  }
0x47: {  	_ =	shalt  }
0x48: {  	_ =	shalt  }
0x49: {  	_ =	shalt  }
0x4a: {  	_ =	shalt  }
0x4b: {  	_ =	shalt  }
0x4c: {  	_ =	shalt  }
0x4d: {  	_ =	shalt  }
0x4e: {  	_ =	shalt  }
0x4f: {  	_ =	shalt  }
0x50: {  	_ =	shalt  }
0x51: {  	_ =	shalt  }
0x52: {  	_ =	shalt  }
0x53: {  	_ =	shalt  }
0x54: {  	_ =	shalt  }
0x55: {  	_ =	shalt  }
0x56: {  	_ =	shalt  }
0x57: {  	_ =	shalt  }
0x58: {  	_ =	shalt  }
0x59: {  	_ =	shalt  }
0x5a: {  	_ =	shalt  }
0x5b: {  	_ =	shalt  }
0x5c: {  	_ =	shalt  }
0x5d: {  	_ =	shalt  }
0x5e: {  	_ =	shalt  }
0x5f: {  	_ =	shalt  }
0x60: {  	_ =	shalt  }
0x61: {  	_ =	shalt  }
0x62: {  	_ =	shalt  }
0x63: {  	_ =	shalt  }
0x64: {  	_ =	shalt  }
0x65: {  	_ =	shalt  }
0x66: {  	_ =	shalt  }
0x67: {  	_ =	shalt  }
0x68: {  	_ =	shalt  }
0x69: {  	_ =	shalt  }
0x6a: {  	_ =	shalt  }
0x6b: {  	_ =	shalt  }
0x6c: {  	_ =	shalt  }
0x6d: {  	_ =	shalt  }
0x6e: {  	_ =	shalt  }
0x6f: {  	_ =	shalt  }
0x70: {  	_ =	shalt  }
0x71: {  	_ =	shalt  }
0x72: {  	_ =	shalt  }
0x73: {  	_ =	shalt  }
0x74: {  	_ =	shalt  }
0x75: {  	_ =	shalt  }
0x76: {  	_ =	shalt  }
0x77: {  	_ =	shalt  }
0x78: {  	_ =	shalt  }
0x79: {  	_ =	shalt  }
0x7a: {  	_ =	shalt  }
0x7b: {  	_ =	shalt  }
0x7c: {  	_ =	shalt  }
0x7d: {  	_ =	shalt  }
0x7e: {  	_ =	shalt  }
0x7f: {  	_ =	shalt  }
0x80: {  	_ =	shalt  }
0x81: {  	_ =	shalt  }
0x82: {  	_ =	shalt  }
0x83: {  	_ =	shalt  }
0x84: {  	_ =	shalt  }
0x85: {  	_ =	shalt  }
0x86: {  	_ =	shalt  }
0x87: {  	_ =	shalt  }
.Lfunc_end0:
.L_simem_size_0:
called_computation_lowered:
.L_overlay_start_0:
0x88: {  	s2 =	sld [smem:$0x3FD9]  }
0x89: {  	s3 =	sld [smem:$0x3FFE];
	_ =	sdelay $0x1  }
0x8a: {  	s1 =	srdreg.scid  }
0x8b: {  	s0 =	sand.u32 $0x1, s1  }
0x8c: {  	s17 =	sshll.u32 s0, $0xA;
	s2 =	sadd.s32 s3, s2  }
0x8d: {  	s2 =	sadd.s32 s2, s17  }
0x8e: {  	[smem:$0x3FC2] =	sst s2  }
0x8f: {  	_ = 	snop  }
0x90: {  	s2 =	sld [smem:$0x3FD0];
	(tm) =	ssettm $0x1  }
0x91: {  	s18 =	sld [smem:$0x3FFB];
	_ =	sdelay $0x3  }
0x92: {  	_ =	strace s18  }
0x93: {  	s3 =	sld [smem:$0x3FFC];
	_ =	sdelay $0x3  }
0x94: {  	_ =	strace s3  }
0x95: {  	s3 =	sld [smem:$0x3FFD];
	_ =	sdelay $0x3  }
0x96: {  	_ =	strace s3  }
0x97: {  	_ =	strace $0x8FFFFFFF  }
0x98: {  	s19 =	sld [smem:$0x3FDB];
	_ =	sdelay $0x1  }
0x99: {  	s4 =	simm.s32 $_scs_section_size  }
0x9a: {  	s5 =	simm.s32 $_size__tile_overlayer_lowered;
	s6 =	simm.s32 $_tile_overlayer_lowered  }
0x9b: {  	s22 =	simm.s32 $0x1BFF;
	s21 =	sshll.u32 s6, $0x1;
	s3 =	sadd.s32 s4, s19  }
0x9c: {  	s7 =	simm.s32 $0x0;
	s20 =	sshll.u32 s5, $0x1;
	s5 =	sadd.s32 s21, s3  }
0x9d: {  	[timem:s7], [sflag:s22] =	dma.local [hbm:s5], s20  }
0x9e: {  	_ =	swait.ge [sflag:s22], s20  }
0x9f: {  	s4 =	ssub.s32 $0x0, s20;
	[sflag:s22] =	ssyncset.done $0x0  }
0xa0: {  	[sflag:s22] =	ssyncadd.s32 s4;
	_ =	sdelay $0x1  }
0xa1: {  	s23 =	simm.s32 $0x1B8B  }
0xa2: {  	_ =	swait.ge [sflag:s23], $0x1  }
0xa3: {  	[sflag:s23] =	ssyncset.done $0x0  }
0xa4: {  	s25 =	simm.s32 $0x1B8E;
	s24 =	sld [smem:$0x3FFE];
	[sflag:s23] =	ssyncadd.s32 $0xFFFFFFFF  }
0xa5: {  	s26 =	simm.s32 $execute0_lowered;
	[smem:$0x3FD2] =	sst s25  }
0xa6: {  	s5 =	sshll.u32 s26, $0x1;
	_ =	strace $0x80000046;
	[dreg:$0x1] =	wrdreg $0xFFFFFFFF  }
0xa7: {  	s28 =	simm.s32 $_size_execute0_lowered;
	s3 =	sadd.s32 s3, s5;
	[dreg:$0x0] =	wrdreg $0x0  }
0xa8: {  	s5 =	sshll.u32 s28, $0x1;
	[dreg:$0x2] =	wrdreg s3  }
0xa9: {  	[dreg:$0x3] =	wrdreg s5  }
0xaa: {  	[dreg:$0x4] =	wrdreg $0xC0  }
0xab: {  	_ =	task [dreg:s7], $0x5FFFF  }
0xac: {  	[dreg:$0x1] =	wrdreg $0xFFFFFFFF  }
0xad: {  	[dreg:$0x0] =	wrdreg $0x60  }
0xae: {  	[dreg:$0x2] =	wrdreg s24  }
0xaf: {  	[dreg:$0x3] =	wrdreg s2  }
0xb0: {  	[dreg:$0x4] =	wrdreg $0xBA800  }
0xb1: {  	[dreg:$0x5] =	wrdreg $0x9  }
0xb2: {  	_ =	task.clear_ibuf [dreg:s7], $0x6FFFF;
	_ =	strace $0x90000046  }
0xb3: {  	s29 =	simm.s32 $0x9;
	_ =	strace $0x80000048  }
0xb4: {  	_ =	swait.ge [sflag:s29], $0x1  }
0xb5: {  	[sflag:s29] =	ssyncadd.s32 $0xFFFFFFFF  }
0xb6: {  	_ =	strace $0x90000048  }
0xb7: {  	_ =	sfence  }
0xb8: {  	s30 =	sld [smem:$0x0];
	_ =	sdelay $0x2  }
0xb9: {  	s31 =	sshll.u32 s1, $0xD;
	s1 =	sshrl.u32 s1, $0x2  }
0xba: {  	s3 =	sand.u32 $0x4000, s31;
	s1 =	sadd.s32 s1, s30  }
0xbb: {  	s0 =	sor.u32 s3, s0;
	s1 =	sshll.u32 s1, $0x11  }
0xbc: {  	s0 =	sor.u32 s1, s0  }
0xbd: {  	s0 =	sadd.s32 $0x8F2B, s0  }
0xbe: {  	[sflag:s0] =	ssyncadd.remote.s32 $0x1  }
0xbf: {  	_ =	sfence.sel $0xFFFF  }
0xc0: {  	[dreg:$0x0] =	wrdreg $0xFFFFFFFF;
	(pc) =	sbr.abs _section_cstart, $3  }
0xc1: {  	[dreg:$0x1] =	wrdreg $0xFFFFFFFF  }
0xc2: {  	_ =	task.clear_ibuf [dreg:s7], $0x2FFFF;
	_ =	strace $0x9FFFFFFF  }
0xc3: {  	(tm) =	ssettm $0x7FFFFFFF  }
tec
execute0_lowered:
.L_overlay_start_1:
0x0: {  	(tag) =	ssettag $0x1  }
0x1: {  	s0 =	rddreg [dreg:$0x0]  }
0x2: {  	s1 =	rddreg [dreg:$0x1]  }
0x3: {  	s2 =	rddreg [dreg:$0x2];
	s3 =	simm.s32 $0x0  }
0x4: {  	s4 =	srdreg.scid;
	s11 =	stileid.u32;
	s28 =	simm.s32 $0x7A00  }
0x5: {  	s30 =	simm.s32 $0x40;
	s29 =	simm.s32 $0x9A00;
	s31 =	simm.s32 $0x4F00  }
0x6: {  	[smem:$0x7FF] =	sst s3;
	s5 =	sadd.s32 $0x600, s0;
	s4 =	sand.u32 $0x1, s4  }
0x7: {  	s6 =	smul.u32 $0x2800, s11;
	s7 =	sshll.u32 s11, $0x1;
	s9 =	sshrl.u32 s11, $0x2  }
0x8: {  	s10 =	sadd.s32 $0x28C00, s0;
	s12 =	sadd.s32 $0x28600, s0;
	s14 =	sadd.s32 $0x400, s0  }
0x9: {  	s16 =	smul.u32 $0x50000, s11;
	_ =	strace $0x80000047;
	[dreg:$0x4] =	wrdreg s10  }
0xa: {  	s11 =	simm.s32 $0x7900;
	s8 =	smul.u32 $0x28000, s4;
	[dreg:$0x5] =	wrdreg s12  }
0xb: {  	s7 =	sor.u32 s4, s7;
	s9 =	smul.u32 $0x13C00, s9;
	[dreg:$0x6] =	wrdreg s14  }
0xc: {  	s4 =	ssub.s32 $0x2, s4;
	s12 =	simm.s32 $0x0;
	s13 =	sshll.u32 s7, $0x7  }
0xd: {  	s17 =	sshrl.u32 s4, $0x1;
	s18 =	sshrl.u32 s16, $0x2;
	s10 =	sand.u32 $0x380, s13  }
0xe: {  	s6 =	sadd.s32 s6, s8;
	s4 =	ssub.s32 s4, s17;
	s15 =	sor.u32 s9, s10  }
0xf: {  	s9 =	smul.u32 $0x5400, s7;
	s6 =	sadd.s32 s6, s0;
	s21 =	smax.u32 s4, $0x1  }
0x10: {  	s10 =	sadd.s32 s18, s2;
	s6 =	sadd.s32 $0x33000, s6;
	[dreg:$0xa] =	wrdreg s21  }
0x11: {  	s4 =	simm.s32 $0x1;
	s22 =	sadd.s32 $0x2000, s10;
	[dreg:$0x8] =	wrdreg s6  }
0x12: {  	s7 =	simm.s32 $0x7880;
	s23 =	sadd.s32 $0x4000, s10;
	[dreg:$0xb] =	wrdreg s22  }
0x13: {  	s8 =	sshrl.u32 s15, $0x3;
	s24 =	sadd.s32 $0x6000, s10;
	[dreg:$0xc] =	wrdreg s23  }
0x14: {  	s25 =	sadd.s32 $0x8000, s10;
	s26 =	sadd.s32 $0xA000, s10;
	[dreg:$0xd] =	wrdreg s24  }
0x15: {  	s21 =	sadd.s32 $0xE000, s10;
	s0 =	sadd.s32 s8, s0;
	[dreg:$0xe] =	wrdreg s25  }
0x16: {  	s19 =	sshrl.u32 s9, $0x3;
	[dreg:$0xf] =	wrdreg s26;
	s22 =	sadd.s32 $0x10000, s10  }
0x17: {  	s23 =	sadd.s32 $0x12000, s10;
	s24 =	simm.s32 $0x3;
	s25 =	simm.s32 $0x2780  }
0x18: {  	s26 =	simm.s32 $0x7800;
	s6 =	simm.s32 $0x7980;
	s20 =	sadd.s32 s1, s19  }
0x19: {  	s8 =	simm.s32 $0x2;
	s0 =	sadd.s32 $0x29200, s0;
	[dreg:$0x7] =	wrdreg s20  }
0x1a: {  	v0 =	vimm.f32 $0.0e+00;
	[dreg:$0x9] =	wrdreg s0;
	s20 =	sadd.s32 $0xC000, s10;
	s0 =	simm.s32 $0x7700  }
.LBB2_1:
0x1b: {  	s13 =	rddreg [dreg:$0x4]  }
0x1c: {  	[tilespmem:s3], [sflag:$0x3] =	stream.linear.gather [hbm4b:s13+s3], $0x2780, $0x38;
	[tilespmem:$0x1FA80] =	vst v63  }
0x1d: {  	_ =	swait.ge [sflag:s24], $0x2780  }
0x1e: {  	[sflag:s24] =	ssyncset.done $0x0  }
0x1f: {  	s18 =	rddreg [dreg:$0x5];
	[sflag:s24] =	ssyncadd.s32 $0xFFFFD880  }
0x20: {  	[tilespmem:s25], [sflag:$0x3] =	stream.linear.gather [hbm4b:s18+s3], $0x2780, $0x38;
	[tilespmem:$0x1FA80] =	vst v63  }
0x21: {  	_ =	swait.ge [sflag:s24], $0x2780  }
0x22: {  	[sflag:s24] =	ssyncset.done $0x0  }
0x23: {  	s14 =	simm.s32 $0xBA00;
	s19 =	rddreg [dreg:$0x6];
	[sflag:s24] =	ssyncadd.s32 $0xFFFFD880  }
0x24: {  	[tilespmem:s14], [sflag:$0x3] =	stream.linear.gather [hbm4b:s19+s3], $0x80, $0x38;
	[tilespmem:$0x1FA80] =	vst v63  }
0x25: {  	_ =	swait.ge [sflag:s24], $0x80  }
0x26: {  	[sflag:s24] =	ssyncset.done $0x0  }
0x27: {  	[sflag:s24] =	ssyncadd.s32 $0xFFFFFF80  }
0x28: {  	s13 =	simm.s32 $0x0;
	s14 =	simm.s32 $0x200;
	v1 =	vld [tilespmem:$0xBA00]  }
.LBB2_2:
0x29: {  	p0 =	sne.s32 s14, $0x7E00;
	[tilespmem:s13+$0x7A70] =	vst v0  }
0x2a: {  	[tilespmem:s13+$0x7A00] =	vst v0  }
0x2b: {  	[tilespmem:s13+$0x7A10] =	vst v0  }
.Ltmp0:
0x2c: {  	[tilespmem:s13+$0x7A20] =	vst v0;
	(pc) =	sbr.rel @p0 .LBB2_2-.Ltmp0, $4  }
0x2d: {  	[tilespmem:s13+$0x7A30] =	vst v0  }
0x2e: {  	[tilespmem:s13+$0x7A40] =	vst v0  }
0x2f: {  	[tilespmem:s13+$0x7A50] =	vst v0  }
0x30: {  	[tilespmem:s13+$0x7A60] =	vst v0;
	s13 =	sshra.s32 s14, $0x2;
	s14 =	sadd.s32 $0x200, s14  }
0x31: {  	[tilespmem:s13+$0x7A70] =	vst v0  }
0x32: {  	[tilespmem:s13+$0x7A00] =	vst v0  }
0x33: {  	[tilespmem:s13+$0x7A10] =	vst v0  }
0x34: {  	[tilespmem:s13+$0x7A20] =	vst v0  }
0x35: {  	[tilespmem:s13+$0x7A30] =	vst v0  }
0x36: {  	[tilespmem:s13+$0x7A40] =	vst v0  }
0x37: {  	[tilespmem:s13+$0x7A50] =	vst v0  }
0x38: {  	[tilespmem:s13+$0x7A60] =	vst v0;
	s13 =	simm.s32 $0x40;
	s14 =	simm.s32 $0x0  }
.LBB2_4:
0x39: {  	p0 =	sne.s32 s13, $0x9C40;
	[tilespmem:s14+$0x4F00] =	vst v0;
	s14 =	smov.u32 s13;
	s13 =	sadd.s32 $0x40, s13  }
.Ltmp1:
0x3a: {  	(pc) =	sbr.rel @p0 .LBB2_4-.Ltmp1, $2  }
0x3b: {  	_ =	sdelay $0x2  }
0x3c: {  	s14 =	sshra.s32 s14, $0x2  }
0x3d: {  	[tilespmem:s14+$0x4F00] =	vst v0  }
0x3e: {  	[spmem:s10] =	stream.linear.scatter [tilespmem:s28], [sflag:$0x3], $0x2000, $0x38;
	[tilespmem:$0x1FA80] =	vst v63  }
0x3f: {  	_ =	swait.ge [sflag:s24], $0x2000  }
0x40: {  	[sflag:s24] =	ssyncset.done $0x0  }
0x41: {  	s13 =	rddreg [dreg:$0xb];
	[sflag:s24] =	ssyncadd.s32 $0xFFFFE000  }
0x42: {  	[spmem:s13] =	stream.linear.scatter [tilespmem:s28], [sflag:$0x3], $0x2000, $0x38;
	[tilespmem:$0x1FA80] =	vst v63  }
0x43: {  	_ =	swait.ge [sflag:s24], $0x2000  }
0x44: {  	[sflag:s24] =	ssyncset.done $0x0  }
0x45: {  	s14 =	rddreg [dreg:$0xc];
	[sflag:s24] =	ssyncadd.s32 $0xFFFFE000  }
0x46: {  	[spmem:s14] =	stream.linear.scatter [tilespmem:s28], [sflag:$0x3], $0x2000, $0x38;
	[tilespmem:$0x1FA80] =	vst v63  }
0x47: {  	_ =	swait.ge [sflag:s24], $0x2000  }
0x48: {  	[sflag:s24] =	ssyncset.done $0x0  }
0x49: {  	s15 =	rddreg [dreg:$0xd];
	[sflag:s24] =	ssyncadd.s32 $0xFFFFE000  }
0x4a: {  	[spmem:s15] =	stream.linear.scatter [tilespmem:s28], [sflag:$0x3], $0x2000, $0x38;
	[tilespmem:$0x1FA80] =	vst v63  }
0x4b: {  	_ =	swait.ge [sflag:s24], $0x2000  }
0x4c: {  	[sflag:s24] =	ssyncset.done $0x0  }
0x4d: {  	s16 =	rddreg [dreg:$0xe];
	[sflag:s24] =	ssyncadd.s32 $0xFFFFE000  }
0x4e: {  	[spmem:s16] =	stream.linear.scatter [tilespmem:s28], [sflag:$0x3], $0x2000, $0x38;
	[tilespmem:$0x1FA80] =	vst v63  }
0x4f: {  	_ =	swait.ge [sflag:s24], $0x2000  }
0x50: {  	[sflag:s24] =	ssyncset.done $0x0  }
0x51: {  	s17 =	rddreg [dreg:$0xf];
	[sflag:s24] =	ssyncadd.s32 $0xFFFFE000  }
0x52: {  	[spmem:s17] =	stream.linear.scatter [tilespmem:s28], [sflag:$0x3], $0x2000, $0x38;
	[tilespmem:$0x1FA80] =	vst v63  }
0x53: {  	_ =	swait.ge [sflag:s24], $0x2000  }
0x54: {  	[sflag:s24] =	ssyncset.done $0x0  }
0x55: {  	[sflag:s24] =	ssyncadd.s32 $0xFFFFE000  }
0x56: {  	[spmem:s20] =	stream.linear.scatter [tilespmem:s28], [sflag:$0x3], $0x2000, $0x38;
	[tilespmem:$0x1FA80] =	vst v63  }
0x57: {  	_ =	swait.ge [sflag:s24], $0x2000  }
0x58: {  	[sflag:s24] =	ssyncset.done $0x0  }
0x59: {  	[sflag:s24] =	ssyncadd.s32 $0xFFFFE000  }
0x5a: {  	[spmem:s21] =	stream.linear.scatter [tilespmem:s28], [sflag:$0x3], $0x2000, $0x38;
	[tilespmem:$0x1FA80] =	vst v63  }
0x5b: {  	_ =	swait.ge [sflag:s24], $0x2000  }
0x5c: {  	[sflag:s24] =	ssyncset.done $0x0  }
0x5d: {  	[sflag:s24] =	ssyncadd.s32 $0xFFFFE000  }
0x5e: {  	[spmem:s22] =	stream.linear.scatter [tilespmem:s28], [sflag:$0x3], $0x2000, $0x38;
	[tilespmem:$0x1FA80] =	vst v63  }
0x5f: {  	_ =	swait.ge [sflag:s24], $0x2000  }
0x60: {  	[sflag:s24] =	ssyncset.done $0x0  }
0x61: {  	[sflag:s24] =	ssyncadd.s32 $0xFFFFE000  }
0x62: {  	[spmem:s23] =	stream.linear.scatter [tilespmem:s28], [sflag:$0x3], $0x2000, $0x38;
	[tilespmem:$0x1FA80] =	vst v63  }
0x63: {  	_ =	swait.ge [sflag:s24], $0x2000  }
0x64: {  	[sflag:s24] =	ssyncset.done $0x0  }
0x65: {  	[sflag:s24] =	ssyncadd.s32 $0xFFFFE000  }
0x66: {  	[bflag:$0x0] =	sbarrier.arrive $0xFFFF  }
0x67: {  	s13 =	simm.s32 $0x0;
	s15 =	simm.s32 $0x7680;
	s18 =	rddreg [dreg:$0x7]  }
0x68: {  	[tilespmem:s15], [sflag:$0x3] =	stream.linear.gather [hbm4b:s18+s13], $0x80, $0x38;
	[tilespmem:$0x1FA80] =	vst v63  }
0x69: {  	_ =	swait.ge [sflag:s24], $0x80  }
0x6a: {  	[sflag:s24] =	ssyncset.done $0x0  }
0x6b: {  	[sflag:s24] =	ssyncadd.s32 $0xFFFFFF80  }
0x6c: {  	v2 =	vld [tilespmem:$0x7680];
	_ =	sdelay $0x1  }
0x6d: {  	v3 =	vld [tilespmem:$0x7690];
	_ =	sdelay $0x1  }
0x6e: {  	v4 =	vld [tilespmem:$0x76A0]  }
0x6f: {  	v5 =	vshrl.u32 v2, $0xE  }
0x70: {  	v63 =	vld [tilespmem:$0x76B0];
	v2 =	vand.u32 $0x3FFF, v2;
	[tilespmem:$0x7780] =	vst v5  }
0x71: {  	[tilespmem:$0x7880] =	vst v2;
	v2 =	vshrl.u32 v3, $0xE  }
0x72: {  	[tilespmem:$0x7790] =	vst v2;
	v2 =	vand.u32 $0x3FFF, v3  }
0x73: {  	[tilespmem:$0x7890] =	vst v2;
	v2 =	vshrl.u32 v4, $0xE  }
0x74: {  	[tilespmem:$0x77A0] =	vst v2;
	v2 =	vand.u32 $0x3FFF, v4  }
0x75: {  	[tilespmem:$0x78A0] =	vst v2;
	v2 =	vshrl.u32 v63, $0xE  }
0x76: {  	[tilespmem:$0x77B0] =	vst v2;
	v2 =	vand.u32 $0x3FFF, v63  }
0x77: {  	s19 =	simm.s32 $0x7780;
	s14 =	simm.s32 $0x0;
	[tilespmem:$0x78B0] =	vst v2  }
0x78: {  	[tilespmem:s28], [sflag:$0x1] =	stream.indirect.gather [hbm4b:s5+s30], $0x80, s19, s30, $0xb8;
	[tilespmem:$0x1FA80] =	vst v63  }
.LBB2_6:
0x79: {  	s15 =	sshll.u32 s14, $0x8  }
0x7a: {  	s16 =	sand.u32 $0x7C00, s15  }
0x7b: {  	s17 =	sand.u32 $0x300, s15;
	s16 =	sadd.s32 s9, s16  }
0x7c: {  	s16 =	sor.u32 s16, s17  }
0x7d: {  	s16 =	sor.u32 $0x80, s16  }
0x7e: {  	s16 =	sshrl.u32 s16, $0x3  }
0x7f: {  	s16 =	sadd.s32 s1, s16  }
0x80: {  	[tilespmem:s0], [sflag:$0x3] =	stream.linear.gather [hbm4b:s16+s13], $0x80, $0x38;
	[tilespmem:$0x1FA80] =	vst v63  }
0x81: {  	_ =	swait.ge [sflag:s24], $0x80  }
0x82: {  	[sflag:s24] =	ssyncset.done $0x0  }
0x83: {  	[sflag:s24] =	ssyncadd.s32 $0xFFFFFF80  }
0x84: {  	v2 =	vld [tilespmem:$0x7700];
	_ =	sdelay $0x1  }
0x85: {  	v3 =	vld [tilespmem:$0x7710];
	_ =	sdelay $0x1  }
0x86: {  	v4 =	vld [tilespmem:$0x7720]  }
0x87: {  	v5 =	vshrl.u32 v2, $0xE  }
0x88: {  	v2 =	vand.u32 $0x3FFF, v2;
	[tilespmem:$0x7800] =	vst v5;
	v5 =	vld [tilespmem:$0x7730]  }
0x89: {  	[tilespmem:$0x7900] =	vst v2;
	v2 =	vshrl.u32 v3, $0xE  }
0x8a: {  	[tilespmem:$0x7810] =	vst v2;
	v2 =	vand.u32 $0x3FFF, v3  }
0x8b: {  	[tilespmem:$0x7910] =	vst v2;
	v2 =	vshrl.u32 v4, $0xE  }
0x8c: {  	[tilespmem:$0x7820] =	vst v2;
	v2 =	vand.u32 $0x3FFF, v4  }
0x8d: {  	[tilespmem:$0x7920] =	vst v2;
	v2 =	vshrl.u32 v5, $0xE  }
0x8e: {  	[tilespmem:$0x7830] =	vst v2;
	v2 =	vand.u32 $0x3FFF, v5  }
0x8f: {  	[tilespmem:$0x7930] =	vst v2  }
0x90: {  	[tilespmem:s29], [sflag:$0x2] =	stream.indirect.gather [hbm4b:s5+s30], $0x80, s26, s30, $0xb8;
	[tilespmem:$0x1FA80] =	vst v63  }
0x91: {  	v2 =	vld [tilespmem:$0x7780]  }
0x92: {  	v3 =	vld [tilespmem:$0x7880];
	_ =	sdelay $0x6  }
0x93: {  	v2 =	vld.idx.msk [tilespmem:v2+s13+$0x0], $0xffff  }
0x94: {  	v4 =	vld.idx.msk [tilespmem:v3+s25+$0x0], $0xffff;
	_ =	sdelay $0x4  }
0x95: {  	v2 =	vadd.f32 v4, v2;
	_ =	sdelay $0x1  }
0x96: {  	v4 =	vmul.f32 $2.000000030e-01, v2  }
0x97: {  	vm0 =	vgt.f32 v2, $0.0e+00  }
0x98: {  	v2 =	vsel vm0, v2, v4  }
0x99: {  	v2 =	vsub.f32 v2, v1;
	_ =	sdelay $0x1  }
0x9a: {  	v2 =	vmul.f32 $1.442695020e+00, v2;
	_ =	sdelay $0x1  }
0x9b: {  	(erf) = vpow2.f32 v2;
	_ =	sdelay $0x8  }
0x9c: {  	v2 =	vpop (erf)  }
0x9d: {  	[tilespmem:$0x7980] =	vst v2  }
0x9e: {  	[tilespmem:v3+s31+$0x0] =	vst.idx.add.f32.msk $0xffff, v2  }
0x9f: {  	v2 =	vld [tilespmem:$0x7790]  }
0xa0: {  	v3 =	vld [tilespmem:$0x7890];
	_ =	sdelay $0x6  }
0xa1: {  	v2 =	vld.idx.msk [tilespmem:v2+s13+$0x0], $0xffff  }
0xa2: {  	v4 =	vld.idx.msk [tilespmem:v3+s25+$0x0], $0xffff;
	_ =	sdelay $0x4  }
0xa3: {  	v2 =	vadd.f32 v4, v2;
	_ =	sdelay $0x1  }
0xa4: {  	v4 =	vmul.f32 $2.000000030e-01, v2  }
0xa5: {  	vm13 =	vgt.f32 v2, $0.0e+00  }
0xa6: {  	v2 =	vsel vm13, v2, v4  }
0xa7: {  	v2 =	vsub.f32 v2, v1;
	_ =	sdelay $0x1  }
0xa8: {  	v2 =	vmul.f32 $1.442695020e+00, v2;
	_ =	sdelay $0x1  }
0xa9: {  	(erf) = vpow2.f32 v2;
	_ =	sdelay $0x8  }
0xaa: {  	v2 =	vpop (erf)  }
0xab: {  	[tilespmem:$0x7990] =	vst v2  }
0xac: {  	[tilespmem:v3+s31+$0x0] =	vst.idx.add.f32.msk $0xffff, v2  }
0xad: {  	v2 =	vld [tilespmem:$0x77A0]  }
0xae: {  	v3 =	vld [tilespmem:$0x78A0];
	_ =	sdelay $0x6  }
0xaf: {  	v2 =	vld.idx.msk [tilespmem:v2+s13+$0x0], $0xffff  }
0xb0: {  	v4 =	vld.idx.msk [tilespmem:v3+s25+$0x0], $0xffff;
	_ =	sdelay $0x4  }
0xb1: {  	v2 =	vadd.f32 v4, v2;
	_ =	sdelay $0x1  }
0xb2: {  	v4 =	vmul.f32 $2.000000030e-01, v2  }
0xb3: {  	vm14 =	vgt.f32 v2, $0.0e+00  }
0xb4: {  	v2 =	vsel vm14, v2, v4  }
0xb5: {  	v2 =	vsub.f32 v2, v1;
	_ =	sdelay $0x1  }
0xb6: {  	v2 =	vmul.f32 $1.442695020e+00, v2;
	_ =	sdelay $0x1  }
0xb7: {  	(erf) = vpow2.f32 v2;
	_ =	sdelay $0x8  }
0xb8: {  	v2 =	vpop (erf)  }
0xb9: {  	[tilespmem:$0x79A0] =	vst v2  }
0xba: {  	[tilespmem:v3+s31+$0x0] =	vst.idx.add.f32.msk $0xffff, v2  }
0xbb: {  	v2 =	vld [tilespmem:$0x77B0]  }
0xbc: {  	v3 =	vld [tilespmem:$0x78B0];
	_ =	sdelay $0x6  }
0xbd: {  	v2 =	vld.idx.msk [tilespmem:v2+s13+$0x0], $0xffff  }
0xbe: {  	v4 =	vld.idx.msk [tilespmem:v3+s25+$0x0], $0xffff;
	_ =	sdelay $0x4  }
0xbf: {  	v2 =	vadd.f32 v4, v2;
	_ =	sdelay $0x1  }
0xc0: {  	v4 =	vmul.f32 $2.000000030e-01, v2  }
0xc1: {  	vm15 =	vgt.f32 v2, $0.0e+00  }
0xc2: {  	v2 =	vsel vm15, v2, v4  }
0xc3: {  	v2 =	vsub.f32 v2, v1;
	_ =	sdelay $0x1  }
0xc4: {  	v2 =	vmul.f32 $1.442695020e+00, v2;
	_ =	sdelay $0x1  }
0xc5: {  	(erf) = vpow2.f32 v2;
	_ =	sdelay $0x8  }
0xc6: {  	v2 =	vpop (erf)  }
0xc7: {  	[tilespmem:$0x79B0] =	vst v2  }
0xc8: {  	[tilespmem:v3+s31+$0x0] =	vst.idx.add.f32.msk $0xffff, v2  }
0xc9: {  	_ =	swait.ge [sflag:s4], $0x2000  }
0xca: {  	v2 =	vmov s13;
	[sflag:s4] =	ssyncset.done $0x0  }
0xcb: {  	s16 =	simm.s32 $0x7A40;
	[sflag:s4] =	ssyncadd.s32 $0xFFFFE000  }
0xcc: {  	v6 =	vld [tilespmem:s16+$0x30]  }
0xcd: {  	v9 =	vld [tilespmem:s16+$0x10]  }
0xce: {  	v7 =	vld [tilespmem:s16+$0xFFFFFFC0]  }
0xcf: {  	v3 =	vld.idx.msk [tilespmem:v2+s6+$0x0], $0xffff  }
0xd0: {  	v11 =	vld [tilespmem:s16+$0xFFFFFFE0]  }
0xd1: {  	v4 =	vld [tilespmem:s16+$0x20]  }
0xd2: {  	v5 =	vld [tilespmem:s16+$0xFFFFFFD0]  }
0xd3: {  	v2 =	vld [tilespmem:s16+$0xFFFFFFF0]  }
0xd4: {  	v10 =	vmul.f32 v6, v3;
	v6 =	vld [tilespmem:s16+$0x0]  }
0xd5: {  	v8 =	vmul.f32 v7, v3  }
0xd6: {  	s18 =	simm.s32 $0x7A40;
	s17 =	simm.s32 $0x1;
	v7 =	vmul.f32 v11, v3;
	v9 =	vmul.f32 v9, v3  }
.LBB2_7:
0xd7: {  	p0 =	sne.s32 s17, $0x3F  }
0xd8: {  	v5 =	vmul.f32 v5, v3;
	v4 =	vmul.f32 v4, v3;
	[tilespmem:s16+$0x30] =	vst v10;
	s18 =	sadd.s32 $0x80, s18;
	s19 =	smov.u32 s17;
	s17 =	sadd.s32 $0x1, s17  }
0xd9: {  	[tilespmem:s16+$0xFFFFFFC0] =	vst v8;
	v8 =	vmul.f32 v2, v3;
	v3 =	vmul.f32 v6, v3  }
0xda: {  	[tilespmem:s16+$0x10] =	vst v9  }
0xdb: {  	v6 =	vmov s19;
	[tilespmem:s16+$0xFFFFFFE0] =	vst v7  }
0xdc: {  	v2 =	vld [tilespmem:s18+$0xFFFFFFF0];
	[tilespmem:s16+$0xFFFFFFF0] =	vst v8  }
0xdd: {  	v7 =	vld [tilespmem:s18+$0x30];
	[tilespmem:s16+$0x0] =	vst v3  }
0xde: {  	v9 =	vld [tilespmem:s18+$0x10];
	[tilespmem:s16+$0x20] =	vst v4  }
0xdf: {  	v8 =	vld [tilespmem:s18+$0xFFFFFFC0];
	[tilespmem:s16+$0xFFFFFFD0] =	vst v5;
	s16 =	smov.u32 s18  }
0xe0: {  	v3 =	vld.idx.msk [tilespmem:v6+s6+$0x0], $0xffff  }
0xe1: {  	v11 =	vld [tilespmem:s18+$0xFFFFFFE0]  }
0xe2: {  	v4 =	vld [tilespmem:s18+$0x20]  }
.Ltmp2:
0xe3: {  	v5 =	vld [tilespmem:s18+$0xFFFFFFD0];
	(pc) =	sbr.rel @p0 .LBB2_7-.Ltmp2, $3  }
0xe4: {  	v6 =	vld [tilespmem:s18+$0x0];
	_ =	sdelay $0x1  }
0xe5: {  	v8 =	vmul.f32 v8, v3;
	v10 =	vmul.f32 v7, v3  }
0xe6: {  	v9 =	vmul.f32 v9, v3;
	v7 =	vmul.f32 v11, v3  }
0xe7: {  	[tilespmem:s16+$0x30] =	vst v10  }
0xe8: {  	[tilespmem:s16+$0xFFFFFFC0] =	vst v8  }
0xe9: {  	v2 =	vmul.f32 v2, v3;
	[tilespmem:s16+$0x10] =	vst v9  }
0xea: {  	v4 =	vmul.f32 v4, v3;
	[tilespmem:s16+$0xFFFFFFE0] =	vst v7  }
0xeb: {  	v6 =	vmul.f32 v6, v3;
	[tilespmem:s16+$0xFFFFFFF0] =	vst v2  }
0xec: {  	p0 =	seq.s32 s14, $0x50;
	v2 =	vmul.f32 v5, v3;
	[tilespmem:s16+$0x20] =	vst v4  }
0xed: {  	s15 =	sadd.s32 @!p0 $0x100, s15;
	[tilespmem:s16+$0x0] =	vst v6  }
0xee: {  	[tilespmem:s16+$0xFFFFFFD0] =	vst v2;
	s16 =	sand.u32 @!p0 $0xFC00, s15  }
0xef: {  	[spmem:s2] =	stream.indirect.scatter.add.f32 [tilespmem:s28], [sflag:$0x3], $0x80, s7, s30, $0xb8;
	[tilespmem:$0x1FA80] =	vst v63  }
0xf0: {  	s15 =	sand.u32 @!p0 $0x300, s15;
	s16 =	sadd.s32 @!p0 s9, s16  }
0xf1: {  	_ =	swait.ge [sflag:s24], $0x2000;
	s15 =	sor.u32 @!p0 s15, s16  }
0xf2: {  	s17 =	simm.s32 @!p0 $0x7680;
	[sflag:s24] =	ssyncset.done $0x0;
	s15 =	sshrl.u32 @!p0 s15, $0x3  }
0xf3: {  	s16 =	simm.s32 @!p0 $0x0;
	[sflag:s24] =	ssyncadd.s32 $0xFFFFE000;
	s15 =	sadd.s32 @!p0 s1, s15  }
0xf4: {  	[tilespmem:s17], [sflag:$0x3] =	stream.linear.gather @!p0 [hbm4b:s15+s16], $0x80, $0x38;
	[tilespmem:$0x1FA80] =	vst v63  }
0xf5: {  	s15 =	simm.s32 @!p0 $0x3  }
0xf6: {  	_ =	swait.ge @!p0 [sflag:s15], $0x80  }
0xf7: {  	[sflag:s15] =	ssyncset.done @!p0 $0x0  }
0xf8: {  	[sflag:s15] =	ssyncadd.s32 @!p0 $0xFFFFFF80  }
0xf9: {  	v2 =	vld @!p0 [tilespmem:$0x7680];
	_ =	sdelay $0x1  }
0xfa: {  	v3 =	vld @!p0 [tilespmem:$0x7690];
	_ =	sdelay $0x1  }
0xfb: {  	v4 =	vld @!p0 [tilespmem:$0x76A0]  }
0xfc: {  	v5 =	vshrl.u32 @!p0 v2, $0xE  }
0xfd: {  	v2 =	vand.u32 @!p0 $0x3FFF, v2;
	[tilespmem:$0x7780] =	vst @!p0 v5;
	v5 =	vld @!p0 [tilespmem:$0x76B0]  }
0xfe: {  	[tilespmem:$0x7880] =	vst @!p0 v2;
	v2 =	vshrl.u32 @!p0 v3, $0xE  }
0xff: {  	[tilespmem:$0x7790] =	vst @!p0 v2;
	v2 =	vand.u32 @!p0 $0x3FFF, v3  }
0x100: {  	[tilespmem:$0x7890] =	vst @!p0 v2;
	v2 =	vshrl.u32 @!p0 v4, $0xE  }
0x101: {  	[tilespmem:$0x77A0] =	vst @!p0 v2;
	v2 =	vand.u32 @!p0 $0x3FFF, v4  }
0x102: {  	[tilespmem:$0x78A0] =	vst @!p0 v2;
	v2 =	vshrl.u32 @!p0 v5, $0xE  }
0x103: {  	[tilespmem:$0x77B0] =	vst @!p0 v2;
	v2 =	vand.u32 @!p0 $0x3FFF, v5  }
0x104: {  	s16 =	simm.s32 @!p0 $0x7780;
	s17 =	simm.s32 @!p0 $0x7A00;
	s15 =	simm.s32 @!p0 $0x40;
	[tilespmem:$0x78B0] =	vst @!p0 v2  }
0x105: {  	[tilespmem:s17], [sflag:$0x1] =	stream.indirect.gather @!p0 [hbm4b:s5+s15], $0x80, s16, s15, $0xb8;
	[tilespmem:$0x1FA80] =	vst v63  }
0x106: {  	v2 =	vld [tilespmem:$0x7800]  }
0x107: {  	v3 =	vld [tilespmem:$0x7900];
	_ =	sdelay $0x5  }
0x108: {  	s19 =	simm.s32 $0x0  }
0x109: {  	v2 =	vld.idx.msk [tilespmem:v2+s19+$0x0], $0xffff  }
0x10a: {  	v4 =	vld.idx.msk [tilespmem:v3+s25+$0x0], $0xffff;
	_ =	sdelay $0x4  }
0x10b: {  	v2 =	vadd.f32 v4, v2;
	_ =	sdelay $0x1  }
0x10c: {  	v4 =	vmul.f32 $2.000000030e-01, v2  }
0x10d: {  	vm0 =	vgt.f32 v2, $0.0e+00  }
0x10e: {  	v2 =	vsel vm0, v2, v4  }
0x10f: {  	v2 =	vsub.f32 v2, v1;
	_ =	sdelay $0x1  }
0x110: {  	v2 =	vmul.f32 $1.442695020e+00, v2;
	_ =	sdelay $0x1  }
0x111: {  	(erf) = vpow2.f32 v2;
	_ =	sdelay $0x8  }
0x112: {  	v2 =	vpop (erf)  }
0x113: {  	[tilespmem:$0x7980] =	vst v2  }
0x114: {  	[tilespmem:v3+s31+$0x0] =	vst.idx.add.f32.msk $0xffff, v2  }
0x115: {  	v2 =	vld [tilespmem:$0x7810]  }
0x116: {  	v3 =	vld [tilespmem:$0x7910];
	_ =	sdelay $0x6  }
0x117: {  	v2 =	vld.idx.msk [tilespmem:v2+s19+$0x0], $0xffff  }
0x118: {  	v4 =	vld.idx.msk [tilespmem:v3+s25+$0x0], $0xffff;
	_ =	sdelay $0x4  }
0x119: {  	v2 =	vadd.f32 v4, v2;
	_ =	sdelay $0x1  }
0x11a: {  	v4 =	vmul.f32 $2.000000030e-01, v2  }
0x11b: {  	vm13 =	vgt.f32 v2, $0.0e+00  }
0x11c: {  	v2 =	vsel vm13, v2, v4  }
0x11d: {  	v2 =	vsub.f32 v2, v1;
	_ =	sdelay $0x1  }
0x11e: {  	v2 =	vmul.f32 $1.442695020e+00, v2;
	_ =	sdelay $0x1  }
0x11f: {  	(erf) = vpow2.f32 v2;
	_ =	sdelay $0x8  }
0x120: {  	v2 =	vpop (erf)  }
0x121: {  	[tilespmem:$0x7990] =	vst v2  }
0x122: {  	[tilespmem:v3+s31+$0x0] =	vst.idx.add.f32.msk $0xffff, v2  }
0x123: {  	v2 =	vld [tilespmem:$0x7820]  }
0x124: {  	v3 =	vld [tilespmem:$0x7920];
	_ =	sdelay $0x6  }
0x125: {  	v2 =	vld.idx.msk [tilespmem:v2+s19+$0x0], $0xffff  }
0x126: {  	v4 =	vld.idx.msk [tilespmem:v3+s25+$0x0], $0xffff;
	_ =	sdelay $0x4  }
0x127: {  	v2 =	vadd.f32 v4, v2;
	_ =	sdelay $0x1  }
0x128: {  	v4 =	vmul.f32 $2.000000030e-01, v2  }
0x129: {  	vm14 =	vgt.f32 v2, $0.0e+00  }
0x12a: {  	v2 =	vsel vm14, v2, v4  }
0x12b: {  	v2 =	vsub.f32 v2, v1;
	_ =	sdelay $0x1  }
0x12c: {  	v2 =	vmul.f32 $1.442695020e+00, v2;
	_ =	sdelay $0x1  }
0x12d: {  	(erf) = vpow2.f32 v2;
	_ =	sdelay $0x8  }
0x12e: {  	v2 =	vpop (erf)  }
0x12f: {  	[tilespmem:$0x79A0] =	vst v2  }
0x130: {  	[tilespmem:v3+s31+$0x0] =	vst.idx.add.f32.msk $0xffff, v2  }
0x131: {  	v2 =	vld [tilespmem:$0x7830]  }
0x132: {  	v3 =	vld [tilespmem:$0x7930];
	_ =	sdelay $0x6  }
0x133: {  	v2 =	vld.idx.msk [tilespmem:v2+s19+$0x0], $0xffff  }
0x134: {  	v4 =	vld.idx.msk [tilespmem:v3+s25+$0x0], $0xffff;
	_ =	sdelay $0x4  }
0x135: {  	v2 =	vadd.f32 v4, v2;
	_ =	sdelay $0x1  }
0x136: {  	v4 =	vmul.f32 $2.000000030e-01, v2  }
0x137: {  	vm15 =	vgt.f32 v2, $0.0e+00  }
0x138: {  	v2 =	vsel vm15, v2, v4  }
0x139: {  	v2 =	vsub.f32 v2, v1;
	_ =	sdelay $0x1  }
0x13a: {  	v2 =	vmul.f32 $1.442695020e+00, v2;
	_ =	sdelay $0x1  }
0x13b: {  	(erf) = vpow2.f32 v2;
	_ =	sdelay $0x8  }
0x13c: {  	v2 =	vpop (erf)  }
0x13d: {  	[tilespmem:$0x79B0] =	vst v2  }
0x13e: {  	[tilespmem:v3+s31+$0x0] =	vst.idx.add.f32.msk $0xffff, v2  }
0x13f: {  	_ =	swait.ge [sflag:s8], $0x2000  }
0x140: {  	v2 =	vmov s19;
	[sflag:s8] =	ssyncset.done $0x0  }
0x141: {  	s15 =	simm.s32 $0x9A40;
	[sflag:s8] =	ssyncadd.s32 $0xFFFFE000  }
0x142: {  	v6 =	vld [tilespmem:s15+$0x30]  }
0x143: {  	v9 =	vld [tilespmem:s15+$0x10]  }
0x144: {  	v7 =	vld [tilespmem:s15+$0xFFFFFFC0]  }
0x145: {  	v3 =	vld.idx.msk [tilespmem:v2+s6+$0x0], $0xffff  }
0x146: {  	v11 =	vld [tilespmem:s15+$0xFFFFFFE0]  }
0x147: {  	v4 =	vld [tilespmem:s15+$0x20]  }
0x148: {  	v5 =	vld [tilespmem:s15+$0xFFFFFFD0]  }
0x149: {  	v2 =	vld [tilespmem:s15+$0xFFFFFFF0]  }
0x14a: {  	v10 =	vmul.f32 v6, v3;
	v6 =	vld [tilespmem:s15+$0x0]  }
0x14b: {  	v8 =	vmul.f32 v7, v3  }
0x14c: {  	s16 =	simm.s32 $0x1;
	s17 =	simm.s32 $0x9A40;
	v7 =	vmul.f32 v11, v3;
	v9 =	vmul.f32 v9, v3  }
.LBB2_9:
0x14d: {  	p0 =	sne.s32 s16, $0x3F  }
0x14e: {  	v5 =	vmul.f32 v5, v3;
	v4 =	vmul.f32 v4, v3;
	[tilespmem:s15+$0x30] =	vst v10;
	s17 =	sadd.s32 $0x80, s17;
	s18 =	smov.u32 s16;
	s16 =	sadd.s32 $0x1, s16  }
0x14f: {  	[tilespmem:s15+$0xFFFFFFC0] =	vst v8;
	v8 =	vmul.f32 v2, v3;
	v3 =	vmul.f32 v6, v3  }
0x150: {  	[tilespmem:s15+$0x10] =	vst v9  }
0x151: {  	v6 =	vmov s18;
	[tilespmem:s15+$0xFFFFFFE0] =	vst v7  }
0x152: {  	v2 =	vld [tilespmem:s17+$0xFFFFFFF0];
	[tilespmem:s15+$0xFFFFFFF0] =	vst v8  }
0x153: {  	v7 =	vld [tilespmem:s17+$0x30];
	[tilespmem:s15+$0x0] =	vst v3  }
0x154: {  	v9 =	vld [tilespmem:s17+$0x10];
	[tilespmem:s15+$0x20] =	vst v4  }
0x155: {  	v8 =	vld [tilespmem:s17+$0xFFFFFFC0];
	[tilespmem:s15+$0xFFFFFFD0] =	vst v5;
	s15 =	smov.u32 s17  }
0x156: {  	v3 =	vld.idx.msk [tilespmem:v6+s6+$0x0], $0xffff  }
0x157: {  	v11 =	vld [tilespmem:s17+$0xFFFFFFE0]  }
0x158: {  	v4 =	vld [tilespmem:s17+$0x20]  }
.Ltmp3:
0x159: {  	v5 =	vld [tilespmem:s17+$0xFFFFFFD0];
	(pc) =	sbr.rel @p0 .LBB2_9-.Ltmp3, $3  }
0x15a: {  	v6 =	vld [tilespmem:s17+$0x0];
	_ =	sdelay $0x1  }
0x15b: {  	v8 =	vmul.f32 v8, v3;
	v10 =	vmul.f32 v7, v3  }
0x15c: {  	v9 =	vmul.f32 v9, v3;
	v7 =	vmul.f32 v11, v3  }
0x15d: {  	[tilespmem:s15+$0x30] =	vst v10  }
0x15e: {  	[tilespmem:s15+$0xFFFFFFC0] =	vst v8  }
0x15f: {  	v2 =	vmul.f32 v2, v3;
	[tilespmem:s15+$0x10] =	vst v9  }
0x160: {  	v4 =	vmul.f32 v4, v3;
	[tilespmem:s15+$0xFFFFFFE0] =	vst v7  }
0x161: {  	v6 =	vmul.f32 v6, v3;
	[tilespmem:s15+$0xFFFFFFF0] =	vst v2  }
0x162: {  	s14 =	sadd.s32 $0x1, s14;
	v2 =	vmul.f32 v5, v3;
	[tilespmem:s15+$0x20] =	vst v4  }
0x163: {  	p0 =	sne.s32 s14, $0x51;
	[tilespmem:s15+$0x0] =	vst v6  }
.Ltmp4:
0x164: {  	[tilespmem:s15+$0xFFFFFFD0] =	vst v2;
	(pc) =	sbr.rel @p0 .LBB2_6-.Ltmp4, $4  }
0x165: {  	[spmem:s2] =	stream.indirect.scatter.add.f32 [tilespmem:s29], [sflag:$0x3], $0x80, s11, s30, $0xb8;
	[tilespmem:$0x1FA80] =	vst v63  }
0x166: {  	_ =	swait.ge [sflag:s24], $0x2000  }
0x167: {  	[sflag:s24] =	ssyncset.done $0x0  }
0x168: {  	[sflag:s24] =	ssyncadd.s32 $0xFFFFE000  }
0x169: {  	s13 =	stileid.u32  }
0x16a: {  	[bflag:$0x0] =	sbarrier.arrive $0xFFFF;
	s13 =	sshll.u32 s13, $0x6  }
0x16b: {  	s14 =	sshrl.u32 s10, $0x3;
	s15 =	rddreg [dreg:$0x8];
	s13 =	sor.u32 $0x1C03, s13  }
0x16c: {  	[hbm:s15], [sflag:s13] =	dma.local [spmem:s14], $0x2800  }
0x16d: {  	_ =	swait.ge [sflag:s24], $0x2800  }
0x16e: {  	s17 =	simm.s32 $0x80;
	[sflag:s24] =	ssyncset.done $0x0  }
0x16f: {  	s18 =	simm.s32 $0x400;
	s16 =	rddreg [dreg:$0x9];
	[sflag:s24] =	ssyncadd.s32 $0xFFFFD800  }
0x170: {  	[hbm4b:s16+s17] =	stream.strided.scatter [tilespmem:s31], [sflag:$0x3], $0x2780, s18, s17, $0x38;
	[tilespmem:$0x1FA80] =	vst v63  }
0x171: {  	_ =	swait.ge [sflag:s24], $0x2780  }
0x172: {  	s12 =	sadd.s32 $0x1, s12;
	s19 =	rddreg [dreg:$0xa]  }
0x173: {  	p0 =	sne.s32 s12, s19  }
.Ltmp5:
0x174: {  	_ = 	snop;
	(pc) =	sbr.rel @p0 .LBB2_1-.Ltmp5, $3  }
0x175: {  	_ =	sdelay $0x1  }
0x176: {  	[sflag:s24] =	ssyncset.done $0x0  }
0x177: {  	[sflag:s24] =	ssyncadd.s32 $0xFFFFD880  }
0x178: {  	_ =	sfence.sel $0x180000  }
0x179: {  	[bflag:$0x0] =	sbarrier.arrive $0xFFFF  }
0x17a: {  	_ =	strace $0x90000047  }
0x17b: {  	s0 =	stileid.u32;
	[bflag:$0x2] =	sbarrier.arrive $0xFFFF  }
0x17c: {  	p0 =	sne.s32 s0, $0x0;
	s0 =	rddreg [dreg:$0x3]  }
0x17d: {  	s0 =	sadd.s32 @!p0 $0x100000, s0  }
0x17e: {  	[sflag:s0] =	ssyncadd.tile.s32 @!p0 $0x1;
	_ =	shalt  }
.Lfunc_end2:
_tile_overlayer_lowered:
.L_overlay_start_2:
0x17f: {  	(tag) =	ssettag $0x2  }
0x180: {  	s0 =	rddreg [dreg:$0x0];
	s2 =	stileid.u32  }
0x181: {  	s1 =	rddreg [dreg:$0x1];
	p0 =	sne.s32 s2, $0x0  }
0x182: {  	s3 =	rddreg [dreg:$0x2];
	[bflag:$0x3] =	sbarrier.arrive $0xFFFF;
	s2 =	simm.s32 @!p0 $0x1C03  }
0x183: {  	[timem:s3], [sflag:s2] =	dma.local @!p0 [hbm:s0], s1  }
0x184: {  	s0 =	simm.s32 @!p0 $0x3  }
0x185: {  	_ =	swait.ge @!p0 [sflag:s0], s1  }
0x186: {  	s1 =	ssub.s32 @!p0 $0x0, s1;
	[sflag:s0] =	ssyncset.done @!p0 $0x0  }
0x187: {  	[sflag:s0] =	ssyncadd.s32 @!p0 s1  }
0x188: {  	[bflag:$0x3] =	sbarrier.arrive $0xFFFF  }
0x189: {  	_ =	shalt  }

</sc_bundles>
